<compile_context>
chip_gen: v7x
topology: tpu7x:2x2x1
jax: 0.10.2.dev20260603
libtpu: 0.0.44.dev20260713+nightly
codegen_flags: <defaults>
</compile_context>

<pallas_src>
import jax
import jax.numpy as jnp
from jax import lax
from jax.experimental import pallas as pl
from jax.experimental.pallas import tpu as pltpu, tpu_sc as plsc

B = 16384
DC = 13
SC_ = 26
NC, NS, L = 2, 16, 16
NW = NC * NS
BW = B // NW
NCH = BW // L


def _body(sparse_hbm, dense_hbm, wb_hbm, bias_hbm, table_hbm, out_hbm,
          idx_v, gv_v, dv_v, wb_v, bias_v, out_v, sem):
    wid = lax.axis_index("s") * NC + lax.axis_index("c")
    base = wid * BW
    pltpu.sync_copy(sparse_hbm.at[pl.ds(base * SC_, BW * SC_)], idx_v)
    pltpu.sync_copy(dense_hbm.at[pl.ds(base * DC, BW * DC)], dv_v)
    pltpu.sync_copy(wb_hbm, wb_v)
    pltpu.sync_copy(bias_hbm, bias_v)
    pltpu.async_copy(table_hbm.at[idx_v], gv_v, sem).wait()

    iota26 = lax.iota(jnp.int32, L) * SC_
    iota13 = lax.iota(jnp.int32, L) * DC

    def chunk(c, _):
        goff = c * (L * SC_)
        doff = c * (L * DC)
        acc = bias_v[...]
        for j in range(SC_):
            acc = acc + plsc.load_gather(gv_v, [iota26 + (goff + j)])
        for k in range(DC):
            acc = acc + wb_v[k] * plsc.load_gather(dv_v, [iota13 + (doff + k)])
        out_v[pl.ds(c * L, L)] = 1.0 / (1.0 + jnp.exp(-acc))
        return _

    lax.fori_loop(0, NCH, chunk, 0)
    pltpu.sync_copy(out_v, out_hbm.at[pl.ds(base, BW)])


@jax.jit
def _run(sparse_flat, dense_flat, wb, bias_b, table):
    mesh = plsc.VectorSubcoreMesh(core_axis_name="c", subcore_axis_name="s")
    k = pl.kernel(
        _body,
        out_type=jax.ShapeDtypeStruct((B,), jnp.float32),
        mesh=mesh,
        compiler_params=pltpu.CompilerParams(needs_layout_passes=False),
        scratch_types=[
            pltpu.VMEM((BW * SC_,), jnp.int32),
            pltpu.VMEM((BW * SC_,), jnp.float32),
            pltpu.VMEM((BW * DC,), jnp.float32),
            pltpu.VMEM((DC, L), jnp.float32),
            pltpu.VMEM((L,), jnp.float32),
            pltpu.VMEM((BW,), jnp.float32),
            pltpu.SemaphoreType.DMA,
        ],
    )
    return k(sparse_flat, dense_flat, wb, bias_b, table)


def kernel(dense_input, sparse_input, w_dense, w_sparse, bias):
    sparse_flat = sparse_input.reshape(-1)
    dense_flat = dense_input.reshape(-1)
    table = w_sparse.reshape(-1)
    wb = jnp.broadcast_to(w_dense.reshape(DC, 1), (DC, L))
    bias_b = jnp.broadcast_to(bias.reshape(1), (L,))
    out = _run(sparse_flat, dense_flat, wb, bias_b, table)
    return out.reshape(B, 1)

# --- scband reference (transcript-rebuilt; emitter-appended) ---
"""Pipeline reference for scband-lr-layer-68504728371410 (READ-ONLY COPY).

The authoritative reference and input builder live on the scoring server;
editing this copy changes nothing except your own understanding.
"""

import jax, jax.numpy as jnp
import numpy as np

B = 16384
DENSE_COLS = 13
SPARSE_COLS = 26
VOCAB = 1000000


def setup_inputs(seed: int = 0) -> dict:
    key = jax.random.key(seed)
    k1, k2, k3, k4 = jax.random.split(key, 4)
    dense_input = jax.random.normal(k1, (B, DENSE_COLS), dtype=jnp.float32)
    sparse_input = jax.random.randint(k2, (B, SPARSE_COLS), 0, VOCAB, dtype=jnp.int32)
    # learned params (keras 'uniform' initializer ~ U[-0.05, 0.05])
    w_dense = jax.random.uniform(k3, (DENSE_COLS, 1), dtype=jnp.float32, minval=-0.05, maxval=0.05)
    w_sparse = jax.random.uniform(k4, (VOCAB, 1), dtype=jnp.float32, minval=-0.05, maxval=0.05)
    bias = jnp.zeros((1,), dtype=jnp.float32)
    return {
        "dense_input": dense_input,
        "sparse_input": sparse_input,
        "w_dense": w_dense,
        "w_sparse": w_sparse,
        "bias": bias,
    }


def reference(dense_input, sparse_input, w_dense, w_sparse, bias):
    # tf.nn.embedding_lookup(self.w_sparse, sparse_input) -> [B, SPARSE_COLS, 1]
    sparse_emb = jnp.take(w_sparse, sparse_input, axis=0)
    # reduce_sum over field axis -> [B, 1]
    w = jnp.sum(sparse_emb, axis=1)
    # sigmoid(dense @ w_dense + w + bias) -> [B, 1]
    return jax.nn.sigmoid(dense_input @ w_dense + w + bias)

if __name__ == "__main__":
    import jax
    _d = setup_inputs()
    print(jax.jit(kernel)(*tuple(_d.values())))

</pallas_src>

<mosaic_0001>
#map = affine_map<(d0, d1) -> (0)>
#map1 = affine_map<(d0, d1) -> (0, 0)>
module attributes {stable_mosaic.version = 14 : i64} {
  func.func @_body(%arg0: i32, %arg1: i32, %arg2: memref<425984xi32, #tpu.memory_space<hbm>>, %arg3: memref<212992xf32, #tpu.memory_space<hbm>>, %arg4: memref<13x16xf32, #tpu.memory_space<hbm>>, %arg5: memref<16xf32, #tpu.memory_space<hbm>>, %arg6: memref<1000000xf32, #tpu.memory_space<hbm>>, %arg7: memref<16384xf32, #tpu.memory_space<hbm>>, %arg8: memref<13312xi32, #tpu.memory_space<vmem>>, %arg9: memref<13312xf32, #tpu.memory_space<vmem>>, %arg10: memref<6656xf32, #tpu.memory_space<vmem>>, %arg11: memref<13x16xf32, #tpu.memory_space<vmem>>, %arg12: memref<16xf32, #tpu.memory_space<vmem>>, %arg13: memref<512xf32, #tpu.memory_space<vmem>>, %arg14: memref<!tpu.dma_semaphore, #tpu.memory_space<semaphore_mem>>) attributes {dimension_semantics = [#tpu.dimension_semantics<core_parallel>, #tpu.dimension_semantics<subcore_parallel>], iteration_bounds = array<i64: 2, 16>, scalar_prefetch = 0 : i64, scratch_operands = 7 : i64, tpu.core_type = #tpu.core_type<sc_vector_subcore>, window_params = [{transform_indices = #map}, {transform_indices = #map}, {transform_indices = #map1}, {transform_indices = #map}, {transform_indices = #map}, {transform_indices = #map}]} {
    %mul3A = arith.constant 2 : i32
    %mul3A_0 = arith.muli %arg1, %mul3A : i32
    %add3A = arith.addi %mul3A_0, %arg0 : i32
    %mul3A_1 = arith.constant 512 : i32
    %mul3A_2 = arith.muli %add3A, %mul3A_1 : i32
    %mul3A_3 = arith.constant 26 : i32
    %mul3A_4 = arith.muli %mul3A_2, %mul3A_3 : i32
    "tpu.region"() ({
      %run_scoped3A = tpu.sem_alloc : memref<!tpu.dma_semaphore, #tpu.memory_space<semaphore_mem>>
      %dma_start3A_21 = tpu.memref_slice %arg2[%mul3A_4] : memref<425984xi32, #tpu.memory_space<hbm>> -> memref<13312xi32, #tpu.memory_space<hbm>>
      %dma_start3A_22 = tpu.memref_slice %arg2[%mul3A_4] : memref<425984xi32, #tpu.memory_space<hbm>> -> memref<13312xi32, #tpu.memory_space<hbm>>
      tpu.enqueue_dma source(%dma_start3A_22 : memref<13312xi32, #tpu.memory_space<hbm>>) target(%arg8 : memref<13312xi32, #tpu.memory_space<vmem>>) target_semaphore(%run_scoped3A : memref<!tpu.dma_semaphore, #tpu.memory_space<semaphore_mem>>)
      %dma_wait3A_23 = tpu.memref_slice %arg2[%mul3A_4] : memref<425984xi32, #tpu.memory_space<hbm>> -> memref<13312xi32, #tpu.memory_space<hbm>>
      %dma_wait3A_24 = tpu.memref_slice %arg2[%mul3A_4] : memref<425984xi32, #tpu.memory_space<hbm>> -> memref<13312xi32, #tpu.memory_space<hbm>>
      tpu.wait_dma2 semaphore(%run_scoped3A : memref<!tpu.dma_semaphore, #tpu.memory_space<semaphore_mem>>) src(%dma_wait3A_24 : memref<13312xi32, #tpu.memory_space<hbm>>) dst(%arg8 : memref<13312xi32, #tpu.memory_space<vmem>>)
      tpu.yield
    }) : () -> ()
    %mul3A_5 = arith.constant 13 : i32
    %mul3A_6 = arith.muli %mul3A_2, %mul3A_5 : i32
    "tpu.region"() ({
      %run_scoped3A = tpu.sem_alloc : memref<!tpu.dma_semaphore, #tpu.memory_space<semaphore_mem>>
      %dma_start3A_21 = tpu.memref_slice %arg3[%mul3A_6] : memref<212992xf32, #tpu.memory_space<hbm>> -> memref<6656xf32, #tpu.memory_space<hbm>>
      %dma_start3A_22 = tpu.memref_slice %arg3[%mul3A_6] : memref<212992xf32, #tpu.memory_space<hbm>> -> memref<6656xf32, #tpu.memory_space<hbm>>
      tpu.enqueue_dma source(%dma_start3A_22 : memref<6656xf32, #tpu.memory_space<hbm>>) target(%arg10 : memref<6656xf32, #tpu.memory_space<vmem>>) target_semaphore(%run_scoped3A : memref<!tpu.dma_semaphore, #tpu.memory_space<semaphore_mem>>)
      %dma_wait3A_23 = tpu.memref_slice %arg3[%mul3A_6] : memref<212992xf32, #tpu.memory_space<hbm>> -> memref<6656xf32, #tpu.memory_space<hbm>>
      %dma_wait3A_24 = tpu.memref_slice %arg3[%mul3A_6] : memref<212992xf32, #tpu.memory_space<hbm>> -> memref<6656xf32, #tpu.memory_space<hbm>>
      tpu.wait_dma2 semaphore(%run_scoped3A : memref<!tpu.dma_semaphore, #tpu.memory_space<semaphore_mem>>) src(%dma_wait3A_24 : memref<6656xf32, #tpu.memory_space<hbm>>) dst(%arg10 : memref<6656xf32, #tpu.memory_space<vmem>>)
      tpu.yield
    }) : () -> ()
    "tpu.region"() ({
      %run_scoped3A = tpu.sem_alloc : memref<!tpu.dma_semaphore, #tpu.memory_space<semaphore_mem>>
      tpu.enqueue_dma source(%arg4 : memref<13x16xf32, #tpu.memory_space<hbm>>) target(%arg11 : memref<13x16xf32, #tpu.memory_space<vmem>>) target_semaphore(%run_scoped3A : memref<!tpu.dma_semaphore, #tpu.memory_space<semaphore_mem>>)
      tpu.wait_dma2 semaphore(%run_scoped3A : memref<!tpu.dma_semaphore, #tpu.memory_space<semaphore_mem>>) src(%arg4 : memref<13x16xf32, #tpu.memory_space<hbm>>) dst(%arg11 : memref<13x16xf32, #tpu.memory_space<vmem>>)
      tpu.yield
    }) : () -> ()
    "tpu.region"() ({
      %run_scoped3A = tpu.sem_alloc : memref<!tpu.dma_semaphore, #tpu.memory_space<semaphore_mem>>
      tpu.enqueue_dma source(%arg5 : memref<16xf32, #tpu.memory_space<hbm>>) target(%arg12 : memref<16xf32, #tpu.memory_space<vmem>>) target_semaphore(%run_scoped3A : memref<!tpu.dma_semaphore, #tpu.memory_space<semaphore_mem>>)
      tpu.wait_dma2 semaphore(%run_scoped3A : memref<!tpu.dma_semaphore, #tpu.memory_space<semaphore_mem>>) src(%arg5 : memref<16xf32, #tpu.memory_space<hbm>>) dst(%arg12 : memref<16xf32, #tpu.memory_space<vmem>>)
      tpu.yield
    }) : () -> ()
    %dma_start3A = arith.constant 0 : i32
    %dma_start3A_7 = tpu.memref_slice %arg6[%dma_start3A] : memref<1000000xf32, #tpu.memory_space<hbm>> -> memref<1000000xf32, #tpu.memory_space<hbm>>
    tpu.enqueue_indirect_dma source(%dma_start3A_7 : memref<1000000xf32, #tpu.memory_space<hbm>>) target(%arg9 : memref<13312xf32, #tpu.memory_space<vmem>>) offsets(%arg8 : memref<13312xi32, #tpu.memory_space<vmem>>) semaphore(%arg14 : memref<!tpu.dma_semaphore, #tpu.memory_space<semaphore_mem>>)
    %dma_wait3A = arith.constant 0 : i32
    %dma_wait3A_8 = tpu.memref_slice %arg6[%dma_wait3A] : memref<1000000xf32, #tpu.memory_space<hbm>> -> memref<1000000xf32, #tpu.memory_space<hbm>>
    tpu.wait_indirect_dma semaphore(%arg14 : memref<!tpu.dma_semaphore, #tpu.memory_space<semaphore_mem>>) src(%dma_wait3A_8 : memref<1000000xf32, #tpu.memory_space<hbm>>) dst(%arg9 : memref<13312xf32, #tpu.memory_space<vmem>>)
    %iota3A = tpu.iota {dimensions = array<i32: 0>} : vector<16xi32>
    %mul3A_9 = arith.constant 26 : i32
    %mul3A_10 = vector.broadcast %mul3A_9 : i32 to vector<16xi32>
    %mul3A_11 = arith.muli %iota3A, %mul3A_10 : vector<16xi32>
    %iota3A_12 = tpu.iota {dimensions = array<i32: 0>} : vector<16xi32>
    %mul3A_13 = arith.constant 13 : i32
    %mul3A_14 = vector.broadcast %mul3A_13 : i32 to vector<16xi32>
    %mul3A_15 = arith.muli %iota3A_12, %mul3A_14 : vector<16xi32>
    %scan3A = arith.constant 0 : i32
    %scan3A_16 = arith.constant 0 : i32
    %scan3A_17 = arith.constant 32 : i32
    %scan3A_18 = arith.addi %scan3A_16, %scan3A_17 : i32
    %scan3A_19 = arith.constant 1 : i32
    scf.for %scan3A_21 = %scan3A_16 to %scan3A_18 step %scan3A_19  : i32 {
      %mul3A_22 = arith.constant 416 : i32
      %mul3A_23 = arith.muli %scan3A_21, %mul3A_22 : i32
      %mul3A_24 = arith.constant 208 : i32
      %mul3A_25 = arith.muli %scan3A_21, %mul3A_24 : i32
      %get3A = arith.constant 0 : index
      %get3A_26 = tpu.vector_load %arg12[%get3A] {strides = array<i32>} : memref<16xf32, #tpu.memory_space<vmem>>, vector<16xf32>,
      %add3A_27 = arith.constant 0 : i32
      %add3A_28 = arith.addi %mul3A_23, %add3A_27 : i32
      %add3A_29 = vector.broadcast %add3A_28 : i32 to vector<16xi32>
      %add3A_30 = arith.addi %mul3A_11, %add3A_29 : vector<16xi32>
      %gather3A = tpu.vector_load_idx %arg9[%add3A_30] : memref<13312xf32, #tpu.memory_space<vmem>>[vector<16xi32>], vector<16xf32>,
      %add3A_31 = arith.addf %get3A_26, %gather3A : vector<16xf32>
      %add3A_32 = arith.constant 1 : i32
      %add3A_33 = arith.addi %mul3A_23, %add3A_32 : i32
      %add3A_34 = vector.broadcast %add3A_33 : i32 to vector<16xi32>
      %add3A_35 = arith.addi %mul3A_11, %add3A_34 : vector<16xi32>
      %gather3A_36 = tpu.vector_load_idx %arg9[%add3A_35] : memref<13312xf32, #tpu.memory_space<vmem>>[vector<16xi32>], vector<16xf32>,
      %add3A_37 = arith.addf %add3A_31, %gather3A_36 : vector<16xf32>
      %add3A_38 = arith.constant 2 : i32
      %add3A_39 = arith.addi %mul3A_23, %add3A_38 : i32
      %add3A_40 = vector.broadcast %add3A_39 : i32 to vector<16xi32>
      %add3A_41 = arith.addi %mul3A_11, %add3A_40 : vector<16xi32>
      %gather3A_42 = tpu.vector_load_idx %arg9[%add3A_41] : memref<13312xf32, #tpu.memory_space<vmem>>[vector<16xi32>], vector<16xf32>,
      %add3A_43 = arith.addf %add3A_37, %gather3A_42 : vector<16xf32>
      %add3A_44 = arith.constant 3 : i32
      %add3A_45 = arith.addi %mul3A_23, %add3A_44 : i32
      %add3A_46 = vector.broadcast %add3A_45 : i32 to vector<16xi32>
      %add3A_47 = arith.addi %mul3A_11, %add3A_46 : vector<16xi32>
      %gather3A_48 = tpu.vector_load_idx %arg9[%add3A_47] : memref<13312xf32, #tpu.memory_space<vmem>>[vector<16xi32>], vector<16xf32>,
      %add3A_49 = arith.addf %add3A_43, %gather3A_48 : vector<16xf32>
      %add3A_50 = arith.constant 4 : i32
      %add3A_51 = arith.addi %mul3A_23, %add3A_50 : i32
      %add3A_52 = vector.broadcast %add3A_51 : i32 to vector<16xi32>
      %add3A_53 = arith.addi %mul3A_11, %add3A_52 : vector<16xi32>
      %gather3A_54 = tpu.vector_load_idx %arg9[%add3A_53] : memref<13312xf32, #tpu.memory_space<vmem>>[vector<16xi32>], vector<16xf32>,
      %add3A_55 = arith.addf %add3A_49, %gather3A_54 : vector<16xf32>
      %add3A_56 = arith.constant 5 : i32
      %add3A_57 = arith.addi %mul3A_23, %add3A_56 : i32
      %add3A_58 = vector.broadcast %add3A_57 : i32 to vector<16xi32>
      %add3A_59 = arith.addi %mul3A_11, %add3A_58 : vector<16xi32>
      %gather3A_60 = tpu.vector_load_idx %arg9[%add3A_59] : memref<13312xf32, #tpu.memory_space<vmem>>[vector<16xi32>], vector<16xf32>,
      %add3A_61 = arith.addf %add3A_55, %gather3A_60 : vector<16xf32>
      %add3A_62 = arith.constant 6 : i32
      %add3A_63 = arith.addi %mul3A_23, %add3A_62 : i32
      %add3A_64 = vector.broadcast %add3A_63 : i32 to vector<16xi32>
      %add3A_65 = arith.addi %mul3A_11, %add3A_64 : vector<16xi32>
      %gather3A_66 = tpu.vector_load_idx %arg9[%add3A_65] : memref<13312xf32, #tpu.memory_space<vmem>>[vector<16xi32>], vector<16xf32>,
      %add3A_67 = arith.addf %add3A_61, %gather3A_66 : vector<16xf32>
      %add3A_68 = arith.constant 7 : i32
      %add3A_69 = arith.addi %mul3A_23, %add3A_68 : i32
      %add3A_70 = vector.broadcast %add3A_69 : i32 to vector<16xi32>
      %add3A_71 = arith.addi %mul3A_11, %add3A_70 : vector<16xi32>
      %gather3A_72 = tpu.vector_load_idx %arg9[%add3A_71] : memref<13312xf32, #tpu.memory_space<vmem>>[vector<16xi32>], vector<16xf32>,
      %add3A_73 = arith.addf %add3A_67, %gather3A_72 : vector<16xf32>
      %add3A_74 = arith.constant 8 : i32
      %add3A_75 = arith.addi %mul3A_23, %add3A_74 : i32
      %add3A_76 = vector.broadcast %add3A_75 : i32 to vector<16xi32>
      %add3A_77 = arith.addi %mul3A_11, %add3A_76 : vector<16xi32>
      %gather3A_78 = tpu.vector_load_idx %arg9[%add3A_77] : memref<13312xf32, #tpu.memory_space<vmem>>[vector<16xi32>], vector<16xf32>,
      %add3A_79 = arith.addf %add3A_73, %gather3A_78 : vector<16xf32>
      %add3A_80 = arith.constant 9 : i32
      %add3A_81 = arith.addi %mul3A_23, %add3A_80 : i32
      %add3A_82 = vector.broadcast %add3A_81 : i32 to vector<16xi32>
      %add3A_83 = arith.addi %mul3A_11, %add3A_82 : vector<16xi32>
      %gather3A_84 = tpu.vector_load_idx %arg9[%add3A_83] : memref<13312xf32, #tpu.memory_space<vmem>>[vector<16xi32>], vector<16xf32>,
      %add3A_85 = arith.addf %add3A_79, %gather3A_84 : vector<16xf32>
      %add3A_86 = arith.constant 10 : i32
      %add3A_87 = arith.addi %mul3A_23, %add3A_86 : i32
      %add3A_88 = vector.broadcast %add3A_87 : i32 to vector<16xi32>
      %add3A_89 = arith.addi %mul3A_11, %add3A_88 : vector<16xi32>
      %gather3A_90 = tpu.vector_load_idx %arg9[%add3A_89] : memref<13312xf32, #tpu.memory_space<vmem>>[vector<16xi32>], vector<16xf32>,
      %add3A_91 = arith.addf %add3A_85, %gather3A_90 : vector<16xf32>
      %add3A_92 = arith.constant 11 : i32
      %add3A_93 = arith.addi %mul3A_23, %add3A_92 : i32
      %add3A_94 = vector.broadcast %add3A_93 : i32 to vector<16xi32>
      %add3A_95 = arith.addi %mul3A_11, %add3A_94 : vector<16xi32>
      %gather3A_96 = tpu.vector_load_idx %arg9[%add3A_95] : memref<13312xf32, #tpu.memory_space<vmem>>[vector<16xi32>], vector<16xf32>,
      %add3A_97 = arith.addf %add3A_91, %gather3A_96 : vector<16xf32>
      %add3A_98 = arith.constant 12 : i32
      %add3A_99 = arith.addi %mul3A_23, %add3A_98 : i32
      %add3A_100 = vector.broadcast %add3A_99 : i32 to vector<16xi32>
      %add3A_101 = arith.addi %mul3A_11, %add3A_100 : vector<16xi32>
      %gather3A_102 = tpu.vector_load_idx %arg9[%add3A_101] : memref<13312xf32, #tpu.memory_space<vmem>>[vector<16xi32>], vector<16xf32>,
      %add3A_103 = arith.addf %add3A_97, %gather3A_102 : vector<16xf32>
      %add3A_104 = arith.constant 13 : i32
      %add3A_105 = arith.addi %mul3A_23, %add3A_104 : i32
      %add3A_106 = vector.broadcast %add3A_105 : i32 to vector<16xi32>
      %add3A_107 = arith.addi %mul3A_11, %add3A_106 : vector<16xi32>
      %gather3A_108 = tpu.vector_load_idx %arg9[%add3A_107] : memref<13312xf32, #tpu.memory_space<vmem>>[vector<16xi32>], vector<16xf32>,
      %add3A_109 = arith.addf %add3A_103, %gather3A_108 : vector<16xf32>
      %add3A_110 = arith.constant 14 : i32
      %add3A_111 = arith.addi %mul3A_23, %add3A_110 : i32
      %add3A_112 = vector.broadcast %add3A_111 : i32 to vector<16xi32>
      %add3A_113 = arith.addi %mul3A_11, %add3A_112 : vector<16xi32>
      %gather3A_114 = tpu.vector_load_idx %arg9[%add3A_113] : memref<13312xf32, #tpu.memory_space<vmem>>[vector<16xi32>], vector<16xf32>,
      %add3A_115 = arith.addf %add3A_109, %gather3A_114 : vector<16xf32>
      %add3A_116 = arith.constant 15 : i32
      %add3A_117 = arith.addi %mul3A_23, %add3A_116 : i32
      %add3A_118 = vector.broadcast %add3A_117 : i32 to vector<16xi32>
      %add3A_119 = arith.addi %mul3A_11, %add3A_118 : vector<16xi32>
      %gather3A_120 = tpu.vector_load_idx %arg9[%add3A_119] : memref<13312xf32, #tpu.memory_space<vmem>>[vector<16xi32>], vector<16xf32>,
      %add3A_121 = arith.addf %add3A_115, %gather3A_120 : vector<16xf32>
      %add3A_122 = arith.constant 16 : i32
      %add3A_123 = arith.addi %mul3A_23, %add3A_122 : i32
      %add3A_124 = vector.broadcast %add3A_123 : i32 to vector<16xi32>
      %add3A_125 = arith.addi %mul3A_11, %add3A_124 : vector<16xi32>
      %gather3A_126 = tpu.vector_load_idx %arg9[%add3A_125] : memref<13312xf32, #tpu.memory_space<vmem>>[vector<16xi32>], vector<16xf32>,
      %add3A_127 = arith.addf %add3A_121, %gather3A_126 : vector<16xf32>
      %add3A_128 = arith.constant 17 : i32
      %add3A_129 = arith.addi %mul3A_23, %add3A_128 : i32
      %add3A_130 = vector.broadcast %add3A_129 : i32 to vector<16xi32>
      %add3A_131 = arith.addi %mul3A_11, %add3A_130 : vector<16xi32>
      %gather3A_132 = tpu.vector_load_idx %arg9[%add3A_131] : memref<13312xf32, #tpu.memory_space<vmem>>[vector<16xi32>], vector<16xf32>,
      %add3A_133 = arith.addf %add3A_127, %gather3A_132 : vector<16xf32>
      %add3A_134 = arith.constant 18 : i32
      %add3A_135 = arith.addi %mul3A_23, %add3A_134 : i32
      %add3A_136 = vector.broadcast %add3A_135 : i32 to vector<16xi32>
      %add3A_137 = arith.addi %mul3A_11, %add3A_136 : vector<16xi32>
      %gather3A_138 = tpu.vector_load_idx %arg9[%add3A_137] : memref<13312xf32, #tpu.memory_space<vmem>>[vector<16xi32>], vector<16xf32>,
      %add3A_139 = arith.addf %add3A_133, %gather3A_138 : vector<16xf32>
      %add3A_140 = arith.constant 19 : i32
      %add3A_141 = arith.addi %mul3A_23, %add3A_140 : i32
      %add3A_142 = vector.broadcast %add3A_141 : i32 to vector<16xi32>
      %add3A_143 = arith.addi %mul3A_11, %add3A_142 : vector<16xi32>
      %gather3A_144 = tpu.vector_load_idx %arg9[%add3A_143] : memref<13312xf32, #tpu.memory_space<vmem>>[vector<16xi32>], vector<16xf32>,
      %add3A_145 = arith.addf %add3A_139, %gather3A_144 : vector<16xf32>
      %add3A_146 = arith.constant 20 : i32
      %add3A_147 = arith.addi %mul3A_23, %add3A_146 : i32
      %add3A_148 = vector.broadcast %add3A_147 : i32 to vector<16xi32>
      %add3A_149 = arith.addi %mul3A_11, %add3A_148 : vector<16xi32>
      %gather3A_150 = tpu.vector_load_idx %arg9[%add3A_149] : memref<13312xf32, #tpu.memory_space<vmem>>[vector<16xi32>], vector<16xf32>,
      %add3A_151 = arith.addf %add3A_145, %gather3A_150 : vector<16xf32>
      %add3A_152 = arith.constant 21 : i32
      %add3A_153 = arith.addi %mul3A_23, %add3A_152 : i32
      %add3A_154 = vector.broadcast %add3A_153 : i32 to vector<16xi32>
      %add3A_155 = arith.addi %mul3A_11, %add3A_154 : vector<16xi32>
      %gather3A_156 = tpu.vector_load_idx %arg9[%add3A_155] : memref<13312xf32, #tpu.memory_space<vmem>>[vector<16xi32>], vector<16xf32>,
      %add3A_157 = arith.addf %add3A_151, %gather3A_156 : vector<16xf32>
      %add3A_158 = arith.constant 22 : i32
      %add3A_159 = arith.addi %mul3A_23, %add3A_158 : i32
      %add3A_160 = vector.broadcast %add3A_159 : i32 to vector<16xi32>
      %add3A_161 = arith.addi %mul3A_11, %add3A_160 : vector<16xi32>
      %gather3A_162 = tpu.vector_load_idx %arg9[%add3A_161] : memref<13312xf32, #tpu.memory_space<vmem>>[vector<16xi32>], vector<16xf32>,
      %add3A_163 = arith.addf %add3A_157, %gather3A_162 : vector<16xf32>
      %add3A_164 = arith.constant 23 : i32
      %add3A_165 = arith.addi %mul3A_23, %add3A_164 : i32
      %add3A_166 = vector.broadcast %add3A_165 : i32 to vector<16xi32>
      %add3A_167 = arith.addi %mul3A_11, %add3A_166 : vector<16xi32>
      %gather3A_168 = tpu.vector_load_idx %arg9[%add3A_167] : memref<13312xf32, #tpu.memory_space<vmem>>[vector<16xi32>], vector<16xf32>,
      %add3A_169 = arith.addf %add3A_163, %gather3A_168 : vector<16xf32>
      %add3A_170 = arith.constant 24 : i32
      %add3A_171 = arith.addi %mul3A_23, %add3A_170 : i32
      %add3A_172 = vector.broadcast %add3A_171 : i32 to vector<16xi32>
      %add3A_173 = arith.addi %mul3A_11, %add3A_172 : vector<16xi32>
      %gather3A_174 = tpu.vector_load_idx %arg9[%add3A_173] : memref<13312xf32, #tpu.memory_space<vmem>>[vector<16xi32>], vector<16xf32>,
      %add3A_175 = arith.addf %add3A_169, %gather3A_174 : vector<16xf32>
      %add3A_176 = arith.constant 25 : i32
      %add3A_177 = arith.addi %mul3A_23, %add3A_176 : i32
      %add3A_178 = vector.broadcast %add3A_177 : i32 to vector<16xi32>
      %add3A_179 = arith.addi %mul3A_11, %add3A_178 : vector<16xi32>
      %gather3A_180 = tpu.vector_load_idx %arg9[%add3A_179] : memref<13312xf32, #tpu.memory_space<vmem>>[vector<16xi32>], vector<16xf32>,
      %add3A_181 = arith.addf %add3A_175, %gather3A_180 : vector<16xf32>
      %get3A_182 = arith.constant 0 : i32
      %get3A_183 = arith.index_cast %get3A_182 : i32 to index
      %get3A_184 = arith.constant 0 : index
      %get3A_185 = tpu.vector_load %arg11[%get3A_183, %get3A_184] {strides = array<i32>} : memref<13x16xf32, #tpu.memory_space<vmem>>, vector<16xf32>,
      %add3A_186 = arith.constant 0 : i32
      %add3A_187 = arith.addi %mul3A_25, %add3A_186 : i32
      %add3A_188 = vector.broadcast %add3A_187 : i32 to vector<16xi32>
      %add3A_189 = arith.addi %mul3A_15, %add3A_188 : vector<16xi32>
      %gather3A_190 = tpu.vector_load_idx %arg10[%add3A_189] : memref<6656xf32, #tpu.memory_space<vmem>>[vector<16xi32>], vector<16xf32>,
      %mul3A_191 = arith.mulf %get3A_185, %gather3A_190 : vector<16xf32>
      %add3A_192 = arith.addf %add3A_181, %mul3A_191 : vector<16xf32>
      %get3A_193 = arith.constant 1 : i32
      %get3A_194 = arith.index_cast %get3A_193 : i32 to index
      %get3A_195 = arith.constant 0 : index
      %get3A_196 = tpu.vector_load %arg11[%get3A_194, %get3A_195] {strides = array<i32>} : memref<13x16xf32, #tpu.memory_space<vmem>>, vector<16xf32>,
      %add3A_197 = arith.constant 1 : i32
      %add3A_198 = arith.addi %mul3A_25, %add3A_197 : i32
      %add3A_199 = vector.broadcast %add3A_198 : i32 to vector<16xi32>
      %add3A_200 = arith.addi %mul3A_15, %add3A_199 : vector<16xi32>
      %gather3A_201 = tpu.vector_load_idx %arg10[%add3A_200] : memref<6656xf32, #tpu.memory_space<vmem>>[vector<16xi32>], vector<16xf32>,
      %mul3A_202 = arith.mulf %get3A_196, %gather3A_201 : vector<16xf32>
      %add3A_203 = arith.addf %add3A_192, %mul3A_202 : vector<16xf32>
      %get3A_204 = arith.constant 2 : i32
      %get3A_205 = arith.index_cast %get3A_204 : i32 to index
      %get3A_206 = arith.constant 0 : index
      %get3A_207 = tpu.vector_load %arg11[%get3A_205, %get3A_206] {strides = array<i32>} : memref<13x16xf32, #tpu.memory_space<vmem>>, vector<16xf32>,
      %add3A_208 = arith.constant 2 : i32
      %add3A_209 = arith.addi %mul3A_25, %add3A_208 : i32
      %add3A_210 = vector.broadcast %add3A_209 : i32 to vector<16xi32>
      %add3A_211 = arith.addi %mul3A_15, %add3A_210 : vector<16xi32>
      %gather3A_212 = tpu.vector_load_idx %arg10[%add3A_211] : memref<6656xf32, #tpu.memory_space<vmem>>[vector<16xi32>], vector<16xf32>,
      %mul3A_213 = arith.mulf %get3A_207, %gather3A_212 : vector<16xf32>
      %add3A_214 = arith.addf %add3A_203, %mul3A_213 : vector<16xf32>
      %get3A_215 = arith.constant 3 : i32
      %get3A_216 = arith.index_cast %get3A_215 : i32 to index
      %get3A_217 = arith.constant 0 : index
      %get3A_218 = tpu.vector_load %arg11[%get3A_216, %get3A_217] {strides = array<i32>} : memref<13x16xf32, #tpu.memory_space<vmem>>, vector<16xf32>,
      %add3A_219 = arith.constant 3 : i32
      %add3A_220 = arith.addi %mul3A_25, %add3A_219 : i32
      %add3A_221 = vector.broadcast %add3A_220 : i32 to vector<16xi32>
      %add3A_222 = arith.addi %mul3A_15, %add3A_221 : vector<16xi32>
      %gather3A_223 = tpu.vector_load_idx %arg10[%add3A_222] : memref<6656xf32, #tpu.memory_space<vmem>>[vector<16xi32>], vector<16xf32>,
      %mul3A_224 = arith.mulf %get3A_218, %gather3A_223 : vector<16xf32>
      %add3A_225 = arith.addf %add3A_214, %mul3A_224 : vector<16xf32>
      %get3A_226 = arith.constant 4 : i32
      %get3A_227 = arith.index_cast %get3A_226 : i32 to index
      %get3A_228 = arith.constant 0 : index
      %get3A_229 = tpu.vector_load %arg11[%get3A_227, %get3A_228] {strides = array<i32>} : memref<13x16xf32, #tpu.memory_space<vmem>>, vector<16xf32>,
      %add3A_230 = arith.constant 4 : i32
      %add3A_231 = arith.addi %mul3A_25, %add3A_230 : i32
      %add3A_232 = vector.broadcast %add3A_231 : i32 to vector<16xi32>
      %add3A_233 = arith.addi %mul3A_15, %add3A_232 : vector<16xi32>
      %gather3A_234 = tpu.vector_load_idx %arg10[%add3A_233] : memref<6656xf32, #tpu.memory_space<vmem>>[vector<16xi32>], vector<16xf32>,
      %mul3A_235 = arith.mulf %get3A_229, %gather3A_234 : vector<16xf32>
      %add3A_236 = arith.addf %add3A_225, %mul3A_235 : vector<16xf32>
      %get3A_237 = arith.constant 5 : i32
      %get3A_238 = arith.index_cast %get3A_237 : i32 to index
      %get3A_239 = arith.constant 0 : index
      %get3A_240 = tpu.vector_load %arg11[%get3A_238, %get3A_239] {strides = array<i32>} : memref<13x16xf32, #tpu.memory_space<vmem>>, vector<16xf32>,
      %add3A_241 = arith.constant 5 : i32
      %add3A_242 = arith.addi %mul3A_25, %add3A_241 : i32
      %add3A_243 = vector.broadcast %add3A_242 : i32 to vector<16xi32>
      %add3A_244 = arith.addi %mul3A_15, %add3A_243 : vector<16xi32>
      %gather3A_245 = tpu.vector_load_idx %arg10[%add3A_244] : memref<6656xf32, #tpu.memory_space<vmem>>[vector<16xi32>], vector<16xf32>,
      %mul3A_246 = arith.mulf %get3A_240, %gather3A_245 : vector<16xf32>
      %add3A_247 = arith.addf %add3A_236, %mul3A_246 : vector<16xf32>
      %get3A_248 = arith.constant 6 : i32
      %get3A_249 = arith.index_cast %get3A_248 : i32 to index
      %get3A_250 = arith.constant 0 : index
      %get3A_251 = tpu.vector_load %arg11[%get3A_249, %get3A_250] {strides = array<i32>} : memref<13x16xf32, #tpu.memory_space<vmem>>, vector<16xf32>,
      %add3A_252 = arith.constant 6 : i32
      %add3A_253 = arith.addi %mul3A_25, %add3A_252 : i32
      %add3A_254 = vector.broadcast %add3A_253 : i32 to vector<16xi32>
      %add3A_255 = arith.addi %mul3A_15, %add3A_254 : vector<16xi32>
      %gather3A_256 = tpu.vector_load_idx %arg10[%add3A_255] : memref<6656xf32, #tpu.memory_space<vmem>>[vector<16xi32>], vector<16xf32>,
      %mul3A_257 = arith.mulf %get3A_251, %gather3A_256 : vector<16xf32>
      %add3A_258 = arith.addf %add3A_247, %mul3A_257 : vector<16xf32>
      %get3A_259 = arith.constant 7 : i32
      %get3A_260 = arith.index_cast %get3A_259 : i32 to index
      %get3A_261 = arith.constant 0 : index
      %get3A_262 = tpu.vector_load %arg11[%get3A_260, %get3A_261] {strides = array<i32>} : memref<13x16xf32, #tpu.memory_space<vmem>>, vector<16xf32>,
      %add3A_263 = arith.constant 7 : i32
      %add3A_264 = arith.addi %mul3A_25, %add3A_263 : i32
      %add3A_265 = vector.broadcast %add3A_264 : i32 to vector<16xi32>
      %add3A_266 = arith.addi %mul3A_15, %add3A_265 : vector<16xi32>
      %gather3A_267 = tpu.vector_load_idx %arg10[%add3A_266] : memref<6656xf32, #tpu.memory_space<vmem>>[vector<16xi32>], vector<16xf32>,
      %mul3A_268 = arith.mulf %get3A_262, %gather3A_267 : vector<16xf32>
      %add3A_269 = arith.addf %add3A_258, %mul3A_268 : vector<16xf32>
      %get3A_270 = arith.constant 8 : i32
      %get3A_271 = arith.index_cast %get3A_270 : i32 to index
      %get3A_272 = arith.constant 0 : index
      %get3A_273 = tpu.vector_load %arg11[%get3A_271, %get3A_272] {strides = array<i32>} : memref<13x16xf32, #tpu.memory_space<vmem>>, vector<16xf32>,
      %add3A_274 = arith.constant 8 : i32
      %add3A_275 = arith.addi %mul3A_25, %add3A_274 : i32
      %add3A_276 = vector.broadcast %add3A_275 : i32 to vector<16xi32>
      %add3A_277 = arith.addi %mul3A_15, %add3A_276 : vector<16xi32>
      %gather3A_278 = tpu.vector_load_idx %arg10[%add3A_277] : memref<6656xf32, #tpu.memory_space<vmem>>[vector<16xi32>], vector<16xf32>,
      %mul3A_279 = arith.mulf %get3A_273, %gather3A_278 : vector<16xf32>
      %add3A_280 = arith.addf %add3A_269, %mul3A_279 : vector<16xf32>
      %get3A_281 = arith.constant 9 : i32
      %get3A_282 = arith.index_cast %get3A_281 : i32 to index
      %get3A_283 = arith.constant 0 : index
      %get3A_284 = tpu.vector_load %arg11[%get3A_282, %get3A_283] {strides = array<i32>} : memref<13x16xf32, #tpu.memory_space<vmem>>, vector<16xf32>,
      %add3A_285 = arith.constant 9 : i32
      %add3A_286 = arith.addi %mul3A_25, %add3A_285 : i32
      %add3A_287 = vector.broadcast %add3A_286 : i32 to vector<16xi32>
      %add3A_288 = arith.addi %mul3A_15, %add3A_287 : vector<16xi32>
      %gather3A_289 = tpu.vector_load_idx %arg10[%add3A_288] : memref<6656xf32, #tpu.memory_space<vmem>>[vector<16xi32>], vector<16xf32>,
      %mul3A_290 = arith.mulf %get3A_284, %gather3A_289 : vector<16xf32>
      %add3A_291 = arith.addf %add3A_280, %mul3A_290 : vector<16xf32>
      %get3A_292 = arith.constant 10 : i32
      %get3A_293 = arith.index_cast %get3A_292 : i32 to index
      %get3A_294 = arith.constant 0 : index
      %get3A_295 = tpu.vector_load %arg11[%get3A_293, %get3A_294] {strides = array<i32>} : memref<13x16xf32, #tpu.memory_space<vmem>>, vector<16xf32>,
      %add3A_296 = arith.constant 10 : i32
      %add3A_297 = arith.addi %mul3A_25, %add3A_296 : i32
      %add3A_298 = vector.broadcast %add3A_297 : i32 to vector<16xi32>
      %add3A_299 = arith.addi %mul3A_15, %add3A_298 : vector<16xi32>
      %gather3A_300 = tpu.vector_load_idx %arg10[%add3A_299] : memref<6656xf32, #tpu.memory_space<vmem>>[vector<16xi32>], vector<16xf32>,
      %mul3A_301 = arith.mulf %get3A_295, %gather3A_300 : vector<16xf32>
      %add3A_302 = arith.addf %add3A_291, %mul3A_301 : vector<16xf32>
      %get3A_303 = arith.constant 11 : i32
      %get3A_304 = arith.index_cast %get3A_303 : i32 to index
      %get3A_305 = arith.constant 0 : index
      %get3A_306 = tpu.vector_load %arg11[%get3A_304, %get3A_305] {strides = array<i32>} : memref<13x16xf32, #tpu.memory_space<vmem>>, vector<16xf32>,
      %add3A_307 = arith.constant 11 : i32
      %add3A_308 = arith.addi %mul3A_25, %add3A_307 : i32
      %add3A_309 = vector.broadcast %add3A_308 : i32 to vector<16xi32>
      %add3A_310 = arith.addi %mul3A_15, %add3A_309 : vector<16xi32>
      %gather3A_311 = tpu.vector_load_idx %arg10[%add3A_310] : memref<6656xf32, #tpu.memory_space<vmem>>[vector<16xi32>], vector<16xf32>,
      %mul3A_312 = arith.mulf %get3A_306, %gather3A_311 : vector<16xf32>
      %add3A_313 = arith.addf %add3A_302, %mul3A_312 : vector<16xf32>
      %get3A_314 = arith.constant 12 : i32
      %get3A_315 = arith.index_cast %get3A_314 : i32 to index
      %get3A_316 = arith.constant 0 : index
      %get3A_317 = tpu.vector_load %arg11[%get3A_315, %get3A_316] {strides = array<i32>} : memref<13x16xf32, #tpu.memory_space<vmem>>, vector<16xf32>,
      %add3A_318 = arith.constant 12 : i32
      %add3A_319 = arith.addi %mul3A_25, %add3A_318 : i32
      %add3A_320 = vector.broadcast %add3A_319 : i32 to vector<16xi32>
      %add3A_321 = arith.addi %mul3A_15, %add3A_320 : vector<16xi32>
      %gather3A_322 = tpu.vector_load_idx %arg10[%add3A_321] : memref<6656xf32, #tpu.memory_space<vmem>>[vector<16xi32>], vector<16xf32>,
      %mul3A_323 = arith.mulf %get3A_317, %gather3A_322 : vector<16xf32>
      %add3A_324 = arith.addf %add3A_313, %mul3A_323 : vector<16xf32>
      %neg3A = arith.constant 0.000000e+00 : f32
      %neg3A_325 = vector.broadcast %neg3A : f32 to vector<16xf32>
      %neg3A_326 = arith.subf %neg3A_325, %add3A_324 : vector<16xf32>
      %exp3A = math.exp %neg3A_326 : vector<16xf32>
      %add3A_327 = arith.constant 1.000000e+00 : f32
      %add3A_328 = vector.broadcast %add3A_327 : f32 to vector<16xf32>
      %add3A_329 = arith.addf %add3A_328, %exp3A : vector<16xf32>
      %div3A = arith.constant 1.000000e+00 : f32
      %div3A_330 = vector.broadcast %div3A : f32 to vector<16xf32>
      %div3A_331 = arith.divf %div3A_330, %add3A_329 : vector<16xf32>
      %mul3A_332 = arith.constant 16 : i32
      %mul3A_333 = arith.muli %scan3A_21, %mul3A_332 : i32
      %swap3A = arith.index_cast %mul3A_333 : i32 to index
      %swap3A_334 = tpu.vector_load %arg13[%swap3A] {strides = array<i32>} : memref<512xf32, #tpu.memory_space<vmem>>, vector<16xf32>,
      tpu.vector_store %arg13[%swap3A], %div3A_331 {strides = array<i32>} : memref<512xf32, #tpu.memory_space<vmem>>, vector<16xf32>,
    }
    %scan3A_20 = arith.constant 32 : i32
    "tpu.region"() ({
      %run_scoped3A = tpu.sem_alloc : memref<!tpu.dma_semaphore, #tpu.memory_space<semaphore_mem>>
      %dma_start3A_21 = tpu.memref_slice %arg7[%mul3A_2] : memref<16384xf32, #tpu.memory_space<hbm>> -> memref<512xf32, #tpu.memory_space<hbm>>
      %dma_start3A_22 = tpu.memref_slice %arg7[%mul3A_2] : memref<16384xf32, #tpu.memory_space<hbm>> -> memref<512xf32, #tpu.memory_space<hbm>>
      tpu.enqueue_dma source(%arg13 : memref<512xf32, #tpu.memory_space<vmem>>) target(%dma_start3A_22 : memref<512xf32, #tpu.memory_space<hbm>>) target_semaphore(%run_scoped3A : memref<!tpu.dma_semaphore, #tpu.memory_space<semaphore_mem>>)
      %dma_wait3A_23 = tpu.memref_slice %arg7[%mul3A_2] : memref<16384xf32, #tpu.memory_space<hbm>> -> memref<512xf32, #tpu.memory_space<hbm>>
      %dma_wait3A_24 = tpu.memref_slice %arg7[%mul3A_2] : memref<16384xf32, #tpu.memory_space<hbm>> -> memref<512xf32, #tpu.memory_space<hbm>>
      tpu.wait_dma2 semaphore(%run_scoped3A : memref<!tpu.dma_semaphore, #tpu.memory_space<semaphore_mem>>) src(%arg13 : memref<512xf32, #tpu.memory_space<vmem>>) dst(%dma_wait3A_24 : memref<512xf32, #tpu.memory_space<hbm>>)
      tpu.yield
    }) : () -> ()
    return
  }
}

</mosaic_0001>

<sc_bundles>
// kernel: _run.3.cloned.1.call-start
scs
__scs_entry_jumppad:
0x0: {  	(pc) =	sbr.rel $0x88, $3  }
0x1: {  	(tag) =	ssettag $0x0;
	lr =	simm.s32 $0x1  }
0x2: {  	[smem:$0x3F9C] =	sst lr;
	_ =	strace $0xD0000000  }
0x3: {  	_ = 	snop  }
0x4: {  	_ = 	snop  }
0x5: {  	_ = 	snop  }
0x6: {  	_ = 	snop  }
0x7: {  	_ = 	snop  }
__scs_overlays_trampoline_lowered:
0x8: {  	[smem:$0x3FAB] =	sst s0  }
0x9: {  	[smem:$0x3FAC] =	sst s1  }
0xa: {  	[smem:$0x3FAD] =	sst s2  }
0xb: {  	[smem:$0x3FAE] =	sst s3  }
0xc: {  	[smem:$0x3FAF] =	sst s4  }
0xd: {  	[smem:$0x3FB0] =	sst s5  }
0xe: {  	[smem:$0x3FB1] =	sst s6  }
0xf: {  	[smem:$0x3FB2] =	sst s7  }
0x10: {  	[smem:$0x3FB3] =	sst s8  }
0x11: {  	[smem:$0x3FB4] =	sst s9;
	s0 =	simm.s32 @!p0 $0x0  }
0x12: {  	s1 =	sld [smem:$0x3F9A];
	s0 =	simm.s32 @p0 $0x1  }
0x13: {  	[smem:$0x3FB5] =	sst s0;
	s0 =	simm.s32 @!p1 $0x0  }
0x14: {  	s2 =	sld [smem:$0x3F99];
	s0 =	simm.s32 @p1 $0x1  }
0x15: {  	[smem:$0x3FB6] =	sst s0;
	s0 =	simm.s32 @!p2 $0x0  }
0x16: {  	s3 =	sld [smem:$0x3FDB];
	s0 =	simm.s32 @p2 $0x1  }
0x17: {  	s4 =	simm.s32 $0x1BF5;
	[smem:$0x3FB8] =	sst s0  }
0x18: {  	s0 =	sld [smem:$0x3F9B];
	_ =	swait.ge [sflag:s4], $0x0  }
0x19: {  	s7 =	sld [smem:$0x3F9C]  }
0x1a: {  	s8 =	sadd.s32 $0xFFFFE003, lr  }
0x1b: {  	s9 =	sadd.s32 $0xFFFFFEF7, lr;
	s5 =	simm.s32 $0xFFFFFFFF;
	p2 =	slt.u32 s8, $0xFFFFF086  }
0x1c: {  	p1 =	slt.u32 s9, $0xF7A;
	s5 =	simm.s32 @!p2 $0x0  }
0x1d: {  	s5 =	simm.s32 @p1 $0x1;
	p0 =	seq.s32 s7, s2  }
0x1e: {  	s7 =	smul.u32 @!p0 $0xF7A, s2;
	p2 =	seq.s32 @!p0 s5, $0x0  }
0x1f: {  	s9 =	smul.u32 $0xF7A, s1;
	s8 =	simm.s32 @!p0 $0x1BF5;
	p2 =	por !p2, p0  }
0x20: {  	[sflag:s8] =	ssyncset.s32 @!p0 $0xFFFFF086;
	s6 =	sadd.s32 @!p0 s3, s7;
	s7 =	simm.s32 @!p0 $0x108  }
0x21: {  	s3 =	sadd.s32 s3, s9;
	s6 =	sadd.s32 @!p0 $0x88, s6;
	s7 =	simm.s32 @p2 $0x1082  }
0x22: {  	[simem:s7], [sflag:s8] =	dma.local @!p0 [hbm:s6], $0xF7A  }
0x23: {  	s9 =	sor.u32 $0xD0000000, s2;
	s6 =	simm.s32 $0x108;
	_ =	swait.ge @!p0 [sflag:s8], $0x0  }
0x24: {  	s3 =	sadd.s32 $0x88, s3;
	s6 =	simm.s32 @!p1 $0x1082;
	[sflag:s4] =	ssyncset.s32 $0xFFFFF086  }
0x25: {  	[simem:s6], [sflag:s4] =	dma.local [hbm:s3], $0xF7A  }
0x26: {  	[smem:$0x3F9C] =	sst s1;
	(tag) =	ssettag s2;
	_ =	strace s9  }
0x27: {  	s1 =	sld [smem:$0x3FAC]  }
0x28: {  	s2 =	sld [smem:$0x3FAD]  }
0x29: {  	s4 =	sld [smem:$0x3FAF]  }
0x2a: {  	p0 =	seq.s32 s5, $0x0;
	s5 =	sld [smem:$0x3FB0]  }
0x2b: {  	s6 =	sld [smem:$0x3FB1]  }
0x2c: {  	s7 =	sld [smem:$0x3FB2]  }
0x2d: {  	s3 =	simm.s32 $0x108;
	s8 =	sld [smem:$0x3FB3]  }
0x2e: {  	s3 =	simm.s32 @!p0 $0x1082;
	s9 =	sld [smem:$0x3FB4]  }
0x2f: {  	lr =	sadd.s32 s0, s3;
	s0 =	sld [smem:$0x3FAB]  }
0x30: {  	s3 =	sld [smem:$0x3FAE]  }
0x31: {  	[smem:$0x3FB7] =	sst s10  }
0x32: {  	s10 =	sld [smem:$0x3FB5];
	_ =	sdelay $0x3  }
0x33: {  	p0 =	seq.s32 s10, $0x1;
	s10 =	sld [smem:$0x3FB7];
	_ =	sdelay $0x3  }
0x34: {  	[smem:$0x3FB7] =	sst s10  }
0x35: {  	s10 =	sld [smem:$0x3FB6];
	_ =	sdelay $0x3  }
0x36: {  	p1 =	seq.s32 s10, $0x1;
	s10 =	sld [smem:$0x3FB7];
	_ =	sdelay $0x3  }
0x37: {  	[smem:$0x3FB7] =	sst s10  }
0x38: {  	s10 =	sld [smem:$0x3FB8]  }
0x39: {  	_ = 	snop;
	(pc) =	sbr.ind lr, $3  }
0x3a: {  	_ = 	snop  }
0x3b: {  	_ = 	snop  }
0x3c: {  	p2 =	seq.s32 s10, $0x1;
	s10 =	sld [smem:$0x3FB7]  }
0x3d: {  	_ =	shalt  }
0x3e: {  	_ =	shalt  }
0x3f: {  	_ =	shalt  }
0x40: {  	_ =	shalt  }
0x41: {  	_ =	shalt  }
0x42: {  	_ =	shalt  }
0x43: {  	_ =	shalt  }
0x44: {  	_ =	shalt  }
0x45: {  	_ =	shalt  }
0x46: {  	_ =	shalt  }
0x47: {  	_ =	shalt  }
0x48: {  	_ =	shalt  }
0x49: {  	_ =	shalt  }
0x4a: {  	_ =	shalt  }
0x4b: {  	_ =	shalt  }
0x4c: {  	_ =	shalt  }
0x4d: {  	_ =	shalt  }
0x4e: {  	_ =	shalt  }
0x4f: {  	_ =	shalt  }
0x50: {  	_ =	shalt  }
0x51: {  	_ =	shalt  }
0x52: {  	_ =	shalt  }
0x53: {  	_ =	shalt  }
0x54: {  	_ =	shalt  }
0x55: {  	_ =	shalt  }
0x56: {  	_ =	shalt  }
0x57: {  	_ =	shalt  }
0x58: {  	_ =	shalt  }
0x59: {  	_ =	shalt  }
0x5a: {  	_ =	shalt  }
0x5b: {  	_ =	shalt  }
0x5c: {  	_ =	shalt  }
0x5d: {  	_ =	shalt  }
0x5e: {  	_ =	shalt  }
0x5f: {  	_ =	shalt  }
0x60: {  	_ =	shalt  }
0x61: {  	_ =	shalt  }
0x62: {  	_ =	shalt  }
0x63: {  	_ =	shalt  }
0x64: {  	_ =	shalt  }
0x65: {  	_ =	shalt  }
0x66: {  	_ =	shalt  }
0x67: {  	_ =	shalt  }
0x68: {  	_ =	shalt  }
0x69: {  	_ =	shalt  }
0x6a: {  	_ =	shalt  }
0x6b: {  	_ =	shalt  }
0x6c: {  	_ =	shalt  }
0x6d: {  	_ =	shalt  }
0x6e: {  	_ =	shalt  }
0x6f: {  	_ =	shalt  }
0x70: {  	_ =	shalt  }
0x71: {  	_ =	shalt  }
0x72: {  	_ =	shalt  }
0x73: {  	_ =	shalt  }
0x74: {  	_ =	shalt  }
0x75: {  	_ =	shalt  }
0x76: {  	_ =	shalt  }
0x77: {  	_ =	shalt  }
0x78: {  	_ =	shalt  }
0x79: {  	_ =	shalt  }
0x7a: {  	_ =	shalt  }
0x7b: {  	_ =	shalt  }
0x7c: {  	_ =	shalt  }
0x7d: {  	_ =	shalt  }
0x7e: {  	_ =	shalt  }
0x7f: {  	_ =	shalt  }
0x80: {  	_ =	shalt  }
0x81: {  	_ =	shalt  }
0x82: {  	_ =	shalt  }
0x83: {  	_ =	shalt  }
0x84: {  	_ =	shalt  }
0x85: {  	_ =	shalt  }
0x86: {  	_ =	shalt  }
0x87: {  	_ =	shalt  }
.Lfunc_end0:
.L_simem_size_0:
called_computation_lowered:
.L_overlay_start_0:
0x88: {  	s2 =	sld [smem:$0x3FD9]  }
0x89: {  	s3 =	sld [smem:$0x3FFE];
	_ =	sdelay $0x1  }
0x8a: {  	s1 =	srdreg.scid  }
0x8b: {  	s0 =	sand.u32 $0x1, s1  }
0x8c: {  	s18 =	sshll.u32 s0, $0xA;
	s2 =	sadd.s32 s3, s2  }
0x8d: {  	s2 =	sadd.s32 s2, s18  }
0x8e: {  	[smem:$0x3FC3] =	sst s2  }
0x8f: {  	_ = 	snop  }
0x90: {  	s2 =	sld [smem:$0x3FC9]  }
0x91: {  	s19 =	sld [smem:$0x3FC8]  }
0x92: {  	s4 =	sld [smem:$0x3FC7]  }
0x93: {  	s5 =	sld [smem:$0x3FC6]  }
0x94: {  	s6 =	sld [smem:$0x3FC5]  }
0x95: {  	s7 =	sld [smem:$0x3FD0];
	(tm) =	ssettm $0x1  }
0x96: {  	s8 =	sld [smem:$0x3FFB];
	_ =	sdelay $0x3  }
0x97: {  	_ =	strace s8  }
0x98: {  	s8 =	sld [smem:$0x3FFC];
	_ =	sdelay $0x3  }
0x99: {  	_ =	strace s8  }
0x9a: {  	s8 =	sld [smem:$0x3FFD];
	_ =	sdelay $0x3  }
0x9b: {  	_ =	strace s8  }
0x9c: {  	_ =	strace $0x8FFFFFFF  }
0x9d: {  	s20 =	sld [smem:$0x3FDB];
	_ =	sdelay $0x1  }
0x9e: {  	s9 =	simm.s32 $_scs_section_size  }
0x9f: {  	s10 =	simm.s32 $_size__tile_overlayer_lowered;
	s11 =	simm.s32 $_tile_overlayer_lowered  }
0xa0: {  	s23 =	simm.s32 $0x1BFF;
	s22 =	sshll.u32 s11, $0x1;
	s8 =	sadd.s32 s9, s20  }
0xa1: {  	s12 =	simm.s32 $0x0;
	s21 =	sshll.u32 s10, $0x1;
	s10 =	sadd.s32 s22, s8  }
0xa2: {  	[timem:s12], [sflag:s23] =	dma.local [hbm:s10], s21  }
0xa3: {  	_ =	swait.ge [sflag:s23], s21  }
0xa4: {  	s9 =	ssub.s32 $0x0, s21;
	[sflag:s23] =	ssyncset.done $0x0  }
0xa5: {  	[sflag:s23] =	ssyncadd.s32 s9;
	_ =	sdelay $0x1  }
0xa6: {  	s24 =	simm.s32 $0x1B8B  }
0xa7: {  	_ =	swait.ge [sflag:s24], $0x1  }
0xa8: {  	[sflag:s24] =	ssyncset.done $0x0  }
0xa9: {  	s25 =	simm.s32 $0x1B8E;
	[sflag:s24] =	ssyncadd.s32 $0xFFFFFFFF  }
0xaa: {  	s26 =	simm.s32 $execute0_lowered;
	[smem:$0x3FD2] =	sst s25  }
0xab: {  	s9 =	sshll.u32 s26, $0x1;
	_ =	strace $0x80000046;
	[dreg:$0x1] =	wrdreg $0xFFFFFFFF  }
0xac: {  	s28 =	simm.s32 $_size_execute0_lowered;
	s8 =	sadd.s32 s8, s9;
	[dreg:$0x0] =	wrdreg $0x0  }
0xad: {  	s9 =	sshll.u32 s28, $0x1;
	[dreg:$0x2] =	wrdreg s8  }
0xae: {  	[dreg:$0x3] =	wrdreg s9  }
0xaf: {  	[dreg:$0x4] =	wrdreg $0xC0  }
0xb0: {  	_ =	task [dreg:s12], $0x5FFFF  }
0xb1: {  	[dreg:$0x1] =	wrdreg $0xFFFFFFFF  }
0xb2: {  	[dreg:$0x0] =	wrdreg $0x60  }
0xb3: {  	[dreg:$0x2] =	wrdreg s2  }
0xb4: {  	[dreg:$0x3] =	wrdreg s19  }
0xb5: {  	[dreg:$0x4] =	wrdreg s4  }
0xb6: {  	[dreg:$0x5] =	wrdreg s5  }
0xb7: {  	[dreg:$0x6] =	wrdreg s6  }
0xb8: {  	[dreg:$0x7] =	wrdreg s7  }
0xb9: {  	[dreg:$0x8] =	wrdreg $0x9  }
0xba: {  	_ =	task.clear_ibuf [dreg:s12], $0x9FFFF;
	_ =	strace $0x90000046  }
0xbb: {  	s29 =	simm.s32 $0x9;
	_ =	strace $0x80000048  }
0xbc: {  	_ =	swait.ge [sflag:s29], $0x1  }
0xbd: {  	[sflag:s29] =	ssyncadd.s32 $0xFFFFFFFF  }
0xbe: {  	_ =	strace $0x90000048  }
0xbf: {  	_ =	sfence  }
0xc0: {  	s30 =	sld [smem:$0x0];
	_ =	sdelay $0x2  }
0xc1: {  	s31 =	sshll.u32 s1, $0xD;
	s1 =	sshrl.u32 s1, $0x2  }
0xc2: {  	s3 =	sand.u32 $0x4000, s31;
	s1 =	sadd.s32 s1, s30  }
0xc3: {  	s0 =	sor.u32 s3, s0;
	s1 =	sshll.u32 s1, $0x11  }
0xc4: {  	s0 =	sor.u32 s1, s0  }
0xc5: {  	s0 =	sadd.s32 $0x8F2B, s0  }
0xc6: {  	[sflag:s0] =	ssyncadd.remote.s32 $0x1  }
0xc7: {  	_ =	sfence.sel $0xFFFF  }
0xc8: {  	[dreg:$0x0] =	wrdreg $0xFFFFFFFF;
	(pc) =	sbr.abs _section_cstart, $3  }
0xc9: {  	[dreg:$0x1] =	wrdreg $0xFFFFFFFF  }
0xca: {  	_ =	task.clear_ibuf [dreg:s12], $0x2FFFF;
	_ =	strace $0x9FFFFFFF  }
0xcb: {  	(tm) =	ssettm $0x7FFFFFFF  }
tec
execute0_lowered:
.L_overlay_start_1:
0x0: {  	(tag) =	ssettag $0x1  }
0x1: {  	s6 =	rddreg [dreg:$0x0]  }
0x2: {  	s7 =	rddreg [dreg:$0x1]  }
0x3: {  	s1 =	rddreg [dreg:$0x2]  }
0x4: {  	s2 =	rddreg [dreg:$0x3]  }
0x5: {  	s4 =	rddreg [dreg:$0x4];
	s3 =	srdreg.scid  }
0x6: {  	s0 =	stileid.u32;
	s8 =	rddreg [dreg:$0x5];
	s14 =	simm.s32 $0x3400  }
0x7: {  	s15 =	simm.s32 $0x1;
	s16 =	simm.s32 $0x8A80;
	s17 =	simm.s32 $0x0  }
0x8: {  	s9 =	sand.u32 $0x1, s3;
	s5 =	sshll.u32 s0, $0x1;
	s3 =	rddreg [dreg:$0x6]  }
0x9: {  	s10 =	sor.u32 s9, s5;
	s5 =	simm.s32 $0x0;
	s9 =	ssub.s32 $0x2, s9  }
0xa: {  	s11 =	smul.u32 $0x680, s10;
	[smem:$0x7FF] =	sst s5;
	s12 =	sshrl.u32 s9, $0x1  }
0xb: {  	s13 =	smul.u32 $0x340, s10;
	s10 =	sshll.u32 s10, $0x6;
	_ =	strace $0x80000047  }
0xc: {  	v1 =	vlaneseq.u32;
	s9 =	ssub.s32 s9, s12;
	s8 =	sadd.s32 s8, s10;
	s10 =	simm.s32 $0x2  }
0xd: {  	v0 =	vmul.u32 $0x1A, v1;
	s12 =	simm.s32 $0x8200;
	s6 =	sadd.s32 s6, s11;
	s7 =	sadd.s32 s7, s13  }
0xe: {  	v1 =	vmul.u32 $0xD, v1;
	s9 =	smax.u32 s9, $0x1;
	s11 =	simm.s32 $0x6800;
	s13 =	simm.s32 $0x8A00  }
.LBB2_1:
0xf: {  	[tilespmem:s5], [sflag:$0x2] =	stream.linear.gather [hbm4b:s6+s5], $0x3400, $0x38;
	[tilespmem:$0x8C80] =	vst v63  }
0x10: {  	_ =	swait.ge [sflag:s10], $0x3400  }
0x11: {  	[sflag:s10] =	ssyncset.done $0x0  }
0x12: {  	[sflag:s10] =	ssyncadd.s32 $0xFFFFCC00  }
0x13: {  	[tilespmem:s11], [sflag:$0x2] =	stream.linear.gather [hbm4b:s7+s5], $0x1A00, $0x38;
	[tilespmem:$0x8C80] =	vst v63  }
0x14: {  	_ =	swait.ge [sflag:s10], $0x1A00  }
0x15: {  	[sflag:s10] =	ssyncset.done $0x0  }
0x16: {  	[sflag:s10] =	ssyncadd.s32 $0xFFFFE600  }
0x17: {  	[tilespmem:s12], [sflag:$0x2] =	stream.linear.gather [hbm4b:s1+s5], $0x680, $0x38;
	[tilespmem:$0x8C80] =	vst v63  }
0x18: {  	_ =	swait.ge [sflag:s10], $0x680  }
0x19: {  	[sflag:s10] =	ssyncset.done $0x0  }
0x1a: {  	[sflag:s10] =	ssyncadd.s32 $0xFFFFF980  }
0x1b: {  	[tilespmem:s13], [sflag:$0x2] =	stream.linear.gather [hbm4b:s2+s5], $0x80, $0x38;
	[tilespmem:$0x8C80] =	vst v63  }
0x1c: {  	_ =	swait.ge [sflag:s10], $0x80  }
0x1d: {  	s18 =	simm.s32 $0x0;
	[sflag:s10] =	ssyncset.done $0x0  }
0x1e: {  	v2 =	vadd.s32 s18, v0;
	[sflag:s10] =	ssyncadd.s32 $0xFFFFFF80  }
0x1f: {  	[tilespmem:s14], [sflag:$0x1] =	stream.indirect.gather [hbm4b:s4+s14], $0x1, s5, s14, $0xb8;
	[tilespmem:$0x8C80] =	vst v63  }
0x20: {  	s28 =	simm.s32 $0x1;
	_ =	swait.ge [sflag:s15], $0x3400  }
0x21: {  	v3 =	vadd.s32 s28, v0;
	[sflag:s15] =	ssyncset.done $0x0  }
0x22: {  	s29 =	simm.s32 $0x2;
	[sflag:s15] =	ssyncadd.s32 $0xFFFFCC00  }
0x23: {  	v4 =	vadd.s32 s29, v0;
	v2 =	vld.idx.msk [tilespmem:v2+s14+$0x0], $0xffff  }
0x24: {  	s30 =	simm.s32 $0x3;
	v5 =	vld [tilespmem:$0x8A00]  }
0x25: {  	v6 =	vadd.s32 s30, v0  }
0x26: {  	s31 =	simm.s32 $0x4;
	v3 =	vld.idx.msk [tilespmem:v3+s14+$0x0], $0xffff  }
0x27: {  	v7 =	vadd.s32 s31, v0  }
0x28: {  	s19 =	simm.s32 $0x5;
	v4 =	vld.idx.msk [tilespmem:v4+s14+$0x0], $0xffff  }
0x29: {  	v8 =	vadd.s32 s19, v0;
	v2 =	vadd.f32 v2, v5  }
0x2a: {  	s20 =	simm.s32 $0x6;
	v16 =	vld.idx.msk [tilespmem:v6+s14+$0x0], $0xffff  }
0x2b: {  	v17 =	vadd.s32 s20, v0;
	v2 =	vadd.f32 v3, v2  }
0x2c: {  	s21 =	simm.s32 $0x7;
	v3 =	vld.idx.msk [tilespmem:v7+s14+$0x0], $0xffff  }
0x2d: {  	v18 =	vadd.s32 s21, v0;
	v2 =	vadd.f32 v4, v2  }
0x2e: {  	s22 =	simm.s32 $0x8;
	v19 =	vld.idx.msk [tilespmem:v8+s14+$0x0], $0xffff  }
0x2f: {  	v20 =	vadd.s32 s22, v0;
	v2 =	vadd.f32 v16, v2  }
0x30: {  	s23 =	simm.s32 $0x9;
	v21 =	vld.idx.msk [tilespmem:v17+s14+$0x0], $0xffff  }
0x31: {  	v22 =	vadd.s32 s23, v0;
	v2 =	vadd.f32 v3, v2  }
0x32: {  	s24 =	simm.s32 $0xA;
	v3 =	vld.idx.msk [tilespmem:v18+s14+$0x0], $0xffff  }
0x33: {  	v23 =	vadd.s32 s24, v0;
	v2 =	vadd.f32 v19, v2  }
0x34: {  	s25 =	simm.s32 $0xB;
	v24 =	vld.idx.msk [tilespmem:v20+s14+$0x0], $0xffff  }
0x35: {  	v25 =	vadd.s32 s25, v0;
	v2 =	vadd.f32 v21, v2  }
0x36: {  	s26 =	simm.s32 $0xC;
	v26 =	vld.idx.msk [tilespmem:v22+s14+$0x0], $0xffff  }
0x37: {  	v27 =	vadd.s32 s26, v0;
	v2 =	vadd.f32 v3, v2  }
0x38: {  	s28 =	simm.s32 $0xD;
	v3 =	vld.idx.msk [tilespmem:v23+s14+$0x0], $0xffff  }
0x39: {  	v28 =	vadd.s32 s28, v0;
	v2 =	vadd.f32 v24, v2  }
0x3a: {  	s29 =	simm.s32 $0xE;
	v29 =	vld.idx.msk [tilespmem:v25+s14+$0x0], $0xffff  }
0x3b: {  	v30 =	vadd.s32 s29, v0;
	v2 =	vadd.f32 v26, v2  }
0x3c: {  	s30 =	simm.s32 $0xF;
	v31 =	vld.idx.msk [tilespmem:v27+s14+$0x0], $0xffff  }
0x3d: {  	v32 =	vadd.s32 s30, v0;
	v2 =	vadd.f32 v3, v2  }
0x3e: {  	s31 =	simm.s32 $0x10;
	v3 =	vld.idx.msk [tilespmem:v28+s14+$0x0], $0xffff  }
0x3f: {  	v33 =	vadd.s32 s31, v0;
	v2 =	vadd.f32 v29, v2  }
0x40: {  	s19 =	simm.s32 $0x11;
	v34 =	vld.idx.msk [tilespmem:v30+s14+$0x0], $0xffff  }
0x41: {  	v35 =	vadd.s32 s19, v0;
	v2 =	vadd.f32 v31, v2  }
0x42: {  	s20 =	simm.s32 $0x12;
	v36 =	vld.idx.msk [tilespmem:v32+s14+$0x0], $0xffff  }
0x43: {  	v37 =	vadd.s32 s20, v0;
	v2 =	vadd.f32 v3, v2  }
0x44: {  	s21 =	simm.s32 $0x13;
	v3 =	vld.idx.msk [tilespmem:v33+s14+$0x0], $0xffff  }
0x45: {  	v38 =	vadd.s32 s21, v0;
	v2 =	vadd.f32 v34, v2  }
0x46: {  	s22 =	simm.s32 $0x14;
	v39 =	vld.idx.msk [tilespmem:v35+s14+$0x0], $0xffff  }
0x47: {  	v40 =	vadd.s32 s22, v0;
	v2 =	vadd.f32 v36, v2  }
0x48: {  	s23 =	simm.s32 $0x15;
	v41 =	vld.idx.msk [tilespmem:v37+s14+$0x0], $0xffff  }
0x49: {  	v42 =	vadd.s32 s23, v0;
	v2 =	vadd.f32 v3, v2  }
0x4a: {  	s24 =	simm.s32 $0x16;
	v3 =	vld.idx.msk [tilespmem:v38+s14+$0x0], $0xffff  }
0x4b: {  	v43 =	vadd.s32 s24, v0;
	v2 =	vadd.f32 v39, v2  }
0x4c: {  	s25 =	simm.s32 $0x17;
	v44 =	vld.idx.msk [tilespmem:v40+s14+$0x0], $0xffff  }
0x4d: {  	s26 =	simm.s32 $0x18;
	v45 =	vadd.s32 s25, v0;
	v2 =	vadd.f32 v41, v2  }
0x4e: {  	v47 =	vadd.s32 s26, v0;
	s28 =	simm.s32 $0x0;
	v46 =	vld.idx.msk [tilespmem:v42+s14+$0x0], $0xffff  }
0x4f: {  	v9 =	vadd.s32 s28, v1;
	v2 =	vadd.f32 v3, v2  }
0x50: {  	s19 =	simm.s32 $0x19;
	v7 =	vld.idx.msk [tilespmem:v43+s14+$0x0], $0xffff  }
0x51: {  	s29 =	simm.s32 $0x1;
	v3 =	vadd.s32 s19, v0;
	v2 =	vadd.f32 v44, v2  }
0x52: {  	v49 =	vadd.s32 s29, v1;
	v48 =	vld.idx.msk [tilespmem:v45+s14+$0x0], $0xffff  }
0x53: {  	s30 =	simm.s32 $0x2;
	v50 =	vld.idx.msk [tilespmem:v47+s14+$0x0], $0xffff;
	v2 =	vadd.f32 v46, v2  }
0x54: {  	v51 =	vadd.s32 s30, v1;
	v52 =	vld.idx.msk [tilespmem:v9+s11+$0x0], $0xffff  }
0x55: {  	s31 =	simm.s32 $0x3;
	v53 =	vld [tilespmem:$0x8200];
	v2 =	vadd.f32 v7, v2  }
0x56: {  	v10 =	vadd.s32 s31, v1;
	v3 =	vld.idx.msk [tilespmem:v3+s14+$0x0], $0xffff  }
0x57: {  	v54 =	vld.idx.msk [tilespmem:v49+s11+$0x0], $0xffff;
	v2 =	vadd.f32 v48, v2  }
0x58: {  	v55 =	vld [tilespmem:$0x8280];
	s19 =	simm.s32 $0x4  }
0x59: {  	v56 =	vld.idx.msk [tilespmem:v51+s11+$0x0], $0xffff;
	v11 =	vadd.s32 s19, v1;
	v2 =	vadd.f32 v50, v2  }
0x5a: {  	s20 =	simm.s32 $0x5;
	v57 =	vld [tilespmem:$0x8300]  }
0x5b: {  	v12 =	vadd.s32 s20, v1;
	v58 =	vld.idx.msk [tilespmem:v10+s11+$0x0], $0xffff;
	v2 =	vadd.f32 v3, v2;
	v3 =	vmul.f32 v52, v53  }
0x5c: {  	s21 =	simm.s32 $0x6;
	v59 =	vld [tilespmem:$0x8380]  }
0x5d: {  	s22 =	simm.s32 $0x7;
	v60 =	vadd.s32 s21, v1;
	v62 =	vld [tilespmem:$0x8400];
	v2 =	vadd.f32 v3, v2;
	v3 =	vmul.f32 v54, v55  }
0x5e: {  	v63 =	vadd.s32 s22, v1;
	v61 =	vld.idx.msk [tilespmem:v11+s11+$0x0], $0xffff  }
0x5f: {  	s23 =	simm.s32 $0x8;
	v17 =	vld [tilespmem:$0x8480];
	v2 =	vadd.f32 v3, v2;
	v3 =	vmul.f32 v56, v57  }
0x60: {  	v16 =	vld.idx.msk [tilespmem:v12+s11+$0x0], $0xffff;
	v18 =	vadd.s32 s23, v1  }
0x61: {  	s24 =	simm.s32 $0x9;
	v20 =	vld [tilespmem:$0x8500];
	v2 =	vadd.f32 v3, v2;
	v3 =	vmul.f32 v58, v59  }
0x62: {  	v19 =	vld.idx.msk [tilespmem:v60+s11+$0x0], $0xffff;
	v21 =	vadd.s32 s24, v1  }
0x63: {  	v22 =	vld.idx.msk [tilespmem:v63+s11+$0x0], $0xffff;
	v2 =	vadd.f32 v3, v2;
	v3 =	vmul.f32 v61, v62  }
0x64: {  	s25 =	simm.s32 $0xA;
	v23 =	vld [tilespmem:$0x8580]  }
0x65: {  	s26 =	simm.s32 $0xB;
	v25 =	vld.idx.msk [tilespmem:v18+s11+$0x0], $0xffff;
	v24 =	vadd.s32 s25, v1;
	v2 =	vadd.f32 v3, v2;
	v3 =	vmul.f32 v16, v17  }
0x66: {  	v27 =	vadd.s32 s26, v1;
	v26 =	vld [tilespmem:$0x8600]  }
0x67: {  	s28 =	simm.s32 $0xC;
	v28 =	vld.idx.msk [tilespmem:v21+s11+$0x0], $0xffff;
	v2 =	vadd.f32 v3, v2;
	v3 =	vmul.f32 v19, v20  }
0x68: {  	v30 =	vadd.s32 s28, v1;
	v29 =	vld [tilespmem:$0x8680]  }
0x69: {  	v32 =	vld [tilespmem:$0x8700];
	v2 =	vadd.f32 v3, v2;
	v3 =	vmul.f32 v22, v23  }
0x6a: {  	v31 =	vld.idx.msk [tilespmem:v24+s11+$0x0], $0xffff  }
0x6b: {  	v33 =	vld.idx.msk [tilespmem:v27+s11+$0x0], $0xffff;
	v2 =	vadd.f32 v3, v2;
	v3 =	vmul.f32 v25, v26  }
0x6c: {  	v34 =	vld [tilespmem:$0x8780]  }
0x6d: {  	v35 =	vld.idx.msk [tilespmem:v30+s11+$0x0], $0xffff;
	v2 =	vadd.f32 v3, v2;
	v3 =	vmul.f32 v28, v29  }
0x6e: {  	v36 =	vld [tilespmem:$0x8800]  }
0x6f: {  	v2 =	vadd.f32 v3, v2;
	v3 =	vmul.f32 v31, v32;
	_ =	sdelay $0x1  }
0x70: {  	v2 =	vadd.f32 v3, v2;
	v3 =	vmul.f32 v33, v34;
	_ =	sdelay $0x1  }
0x71: {  	v2 =	vadd.f32 v3, v2;
	v3 =	vmul.f32 v35, v36;
	_ =	sdelay $0x1  }
0x72: {  	v2 =	vadd.f32 v3, v2;
	_ =	sdelay $0x1  }
0x73: {  	v2 =	vsub.f32 $0.0e+00, v2;
	_ =	sdelay $0x1  }
0x74: {  	v2 =	vmul.f32 $1.442695020e+00, v2;
	_ =	sdelay $0x1  }
0x75: {  	(erf) = vpow2.f32 v2;
	_ =	sdelay $0x8  }
0x76: {  	v2 =	vpop (erf)  }
0x77: {  	v2 =	vadd.f32 $1.000000000e+00, v2;
	_ =	sdelay $0x1  }
0x78: {  	(erf) = vrcp.f32 v2;
	_ =	sdelay $0x4  }
0x79: {  	s29 =	simm.s32 $0x1A0  }
0x7a: {  	v2 =	vadd.s32 s29, v0;
	_ =	sdelay $0x1  }
0x7b: {  	s30 =	simm.s32 $0x1A1  }
0x7c: {  	v3 =	vadd.s32 s30, v0;
	v37 =	vpop (erf)  }
0x7d: {  	s31 =	simm.s32 $0x1A2;
	[tilespmem:s16+$0x0] =	vst v37  }
0x7e: {  	v38 =	vadd.s32 s31, v0;
	v2 =	vld.idx.msk [tilespmem:v2+s14+$0x0], $0xffff  }
0x7f: {  	s19 =	simm.s32 $0x1A3;
	v39 =	vld [tilespmem:$0x8A00]  }
0x80: {  	v40 =	vadd.s32 s19, v0  }
0x81: {  	s20 =	simm.s32 $0x1A4;
	v3 =	vld.idx.msk [tilespmem:v3+s14+$0x0], $0xffff  }
0x82: {  	v41 =	vadd.s32 s20, v0  }
0x83: {  	s21 =	simm.s32 $0x1A5;
	v4 =	vld.idx.msk [tilespmem:v38+s14+$0x0], $0xffff  }
0x84: {  	v42 =	vadd.s32 s21, v0;
	v2 =	vadd.f32 v2, v39  }
0x85: {  	s22 =	simm.s32 $0x1A6;
	v43 =	vld.idx.msk [tilespmem:v40+s14+$0x0], $0xffff  }
0x86: {  	v44 =	vadd.s32 s22, v0;
	v2 =	vadd.f32 v3, v2  }
0x87: {  	s23 =	simm.s32 $0x1A7;
	v3 =	vld.idx.msk [tilespmem:v41+s14+$0x0], $0xffff  }
0x88: {  	v45 =	vadd.s32 s23, v0;
	v2 =	vadd.f32 v4, v2  }
0x89: {  	s24 =	simm.s32 $0x1A8;
	v46 =	vld.idx.msk [tilespmem:v42+s14+$0x0], $0xffff  }
0x8a: {  	v47 =	vadd.s32 s24, v0;
	v2 =	vadd.f32 v43, v2  }
0x8b: {  	s25 =	simm.s32 $0x1A9;
	v48 =	vld.idx.msk [tilespmem:v44+s14+$0x0], $0xffff  }
0x8c: {  	v49 =	vadd.s32 s25, v0;
	v2 =	vadd.f32 v3, v2  }
0x8d: {  	s26 =	simm.s32 $0x1AA;
	v3 =	vld.idx.msk [tilespmem:v45+s14+$0x0], $0xffff  }
0x8e: {  	v50 =	vadd.s32 s26, v0;
	v2 =	vadd.f32 v46, v2  }
0x8f: {  	s28 =	simm.s32 $0x1AB;
	v51 =	vld.idx.msk [tilespmem:v47+s14+$0x0], $0xffff  }
0x90: {  	v52 =	vadd.s32 s28, v0;
	v2 =	vadd.f32 v48, v2  }
0x91: {  	s29 =	simm.s32 $0x1AC;
	v53 =	vld.idx.msk [tilespmem:v49+s14+$0x0], $0xffff  }
0x92: {  	v54 =	vadd.s32 s29, v0;
	v2 =	vadd.f32 v3, v2  }
0x93: {  	s30 =	simm.s32 $0x1AD;
	v3 =	vld.idx.msk [tilespmem:v50+s14+$0x0], $0xffff  }
0x94: {  	v55 =	vadd.s32 s30, v0;
	v2 =	vadd.f32 v51, v2  }
0x95: {  	s31 =	simm.s32 $0x1AE;
	v56 =	vld.idx.msk [tilespmem:v52+s14+$0x0], $0xffff  }
0x96: {  	v57 =	vadd.s32 s31, v0;
	v2 =	vadd.f32 v53, v2  }
0x97: {  	s19 =	simm.s32 $0x1AF;
	v58 =	vld.idx.msk [tilespmem:v54+s14+$0x0], $0xffff  }
0x98: {  	v59 =	vadd.s32 s19, v0;
	v2 =	vadd.f32 v3, v2  }
0x99: {  	s20 =	simm.s32 $0x1B0;
	v3 =	vld.idx.msk [tilespmem:v55+s14+$0x0], $0xffff  }
0x9a: {  	v60 =	vadd.s32 s20, v0;
	v2 =	vadd.f32 v56, v2  }
0x9b: {  	s21 =	simm.s32 $0x1B1;
	v61 =	vld.idx.msk [tilespmem:v57+s14+$0x0], $0xffff  }
0x9c: {  	v62 =	vadd.s32 s21, v0;
	v2 =	vadd.f32 v58, v2  }
0x9d: {  	s22 =	simm.s32 $0x1B2;
	v63 =	vld.idx.msk [tilespmem:v59+s14+$0x0], $0xffff  }
0x9e: {  	v12 =	vadd.s32 s22, v0;
	v2 =	vadd.f32 v3, v2  }
0x9f: {  	s23 =	simm.s32 $0x1B3;
	v3 =	vld.idx.msk [tilespmem:v60+s14+$0x0], $0xffff  }
0xa0: {  	v13 =	vadd.s32 s23, v0;
	v2 =	vadd.f32 v61, v2  }
0xa1: {  	s24 =	simm.s32 $0x1B4;
	v14 =	vld.idx.msk [tilespmem:v62+s14+$0x0], $0xffff  }
0xa2: {  	v15 =	vadd.s32 s24, v0;
	v2 =	vadd.f32 v63, v2  }
0xa3: {  	s25 =	simm.s32 $0x1B5;
	v16 =	vld.idx.msk [tilespmem:v12+s14+$0x0], $0xffff  }
0xa4: {  	v17 =	vadd.s32 s25, v0;
	v2 =	vadd.f32 v3, v2  }
0xa5: {  	s26 =	simm.s32 $0x1B6;
	v3 =	vld.idx.msk [tilespmem:v13+s14+$0x0], $0xffff  }
0xa6: {  	v18 =	vadd.s32 s26, v0;
	v2 =	vadd.f32 v14, v2  }
0xa7: {  	s28 =	simm.s32 $0x1B7;
	v19 =	vld.idx.msk [tilespmem:v15+s14+$0x0], $0xffff  }
0xa8: {  	v20 =	vadd.s32 s28, v0;
	s29 =	simm.s32 $0x1B8;
	v2 =	vadd.f32 v16, v2  }
0xa9: {  	s31 =	simm.s32 $0xD0;
	v22 =	vadd.s32 s29, v0;
	v21 =	vld.idx.msk [tilespmem:v17+s14+$0x0], $0xffff  }
0xaa: {  	v23 =	vadd.s32 s31, v1;
	v2 =	vadd.f32 v3, v2  }
0xab: {  	s30 =	simm.s32 $0x1B9;
	v7 =	vld.idx.msk [tilespmem:v18+s14+$0x0], $0xffff  }
0xac: {  	s20 =	simm.s32 $0xD1;
	v3 =	vadd.s32 s30, v0;
	v2 =	vadd.f32 v19, v2  }
0xad: {  	v25 =	vadd.s32 s20, v1;
	v24 =	vld.idx.msk [tilespmem:v20+s14+$0x0], $0xffff  }
0xae: {  	s21 =	simm.s32 $0xD2;
	v26 =	vld.idx.msk [tilespmem:v22+s14+$0x0], $0xffff;
	v2 =	vadd.f32 v21, v2  }
0xaf: {  	v27 =	vadd.s32 s21, v1;
	v28 =	vld.idx.msk [tilespmem:v23+s11+$0x0], $0xffff  }
0xb0: {  	s22 =	simm.s32 $0xD3;
	v29 =	vld [tilespmem:$0x8200];
	v2 =	vadd.f32 v7, v2  }
0xb1: {  	v30 =	vadd.s32 s22, v1;
	v3 =	vld.idx.msk [tilespmem:v3+s14+$0x0], $0xffff  }
0xb2: {  	s23 =	simm.s32 $0xD4;
	v31 =	vld.idx.msk [tilespmem:v25+s11+$0x0], $0xffff;
	v2 =	vadd.f32 v24, v2  }
0xb3: {  	v33 =	vadd.s32 s23, v1;
	v32 =	vld [tilespmem:$0x8280]  }
0xb4: {  	v34 =	vld.idx.msk [tilespmem:v27+s11+$0x0], $0xffff;
	v2 =	vadd.f32 v26, v2  }
0xb5: {  	s24 =	simm.s32 $0xD5;
	v35 =	vld [tilespmem:$0x8300]  }
0xb6: {  	v36 =	vadd.s32 s24, v1;
	v37 =	vld.idx.msk [tilespmem:v30+s11+$0x0], $0xffff;
	v2 =	vadd.f32 v3, v2;
	v3 =	vmul.f32 v28, v29  }
0xb7: {  	s25 =	simm.s32 $0xD6;
	v38 =	vld [tilespmem:$0x8380]  }
0xb8: {  	s26 =	simm.s32 $0xD7;
	v40 =	vld.idx.msk [tilespmem:v33+s11+$0x0], $0xffff;
	v39 =	vadd.s32 s25, v1;
	v2 =	vadd.f32 v3, v2;
	v3 =	vmul.f32 v31, v32  }
0xb9: {  	v42 =	vadd.s32 s26, v1;
	v41 =	vld [tilespmem:$0x8400]  }
0xba: {  	s28 =	simm.s32 $0xD8;
	v44 =	vld [tilespmem:$0x8480];
	v2 =	vadd.f32 v3, v2;
	v3 =	vmul.f32 v34, v35  }
0xbb: {  	v43 =	vld.idx.msk [tilespmem:v36+s11+$0x0], $0xffff;
	v45 =	vadd.s32 s28, v1  }
0xbc: {  	s29 =	simm.s32 $0xD9;
	v47 =	vld [tilespmem:$0x8500];
	v2 =	vadd.f32 v3, v2;
	v3 =	vmul.f32 v37, v38  }
0xbd: {  	v46 =	vld.idx.msk [tilespmem:v39+s11+$0x0], $0xffff;
	v48 =	vadd.s32 s29, v1  }
0xbe: {  	v49 =	vld.idx.msk [tilespmem:v42+s11+$0x0], $0xffff;
	v2 =	vadd.f32 v3, v2;
	v3 =	vmul.f32 v40, v41  }
0xbf: {  	v50 =	vld [tilespmem:$0x8580];
	s30 =	simm.s32 $0xDA  }
0xc0: {  	s31 =	simm.s32 $0xDB;
	v52 =	vld.idx.msk [tilespmem:v45+s11+$0x0], $0xffff;
	v51 =	vadd.s32 s30, v1;
	v2 =	vadd.f32 v3, v2;
	v3 =	vmul.f32 v43, v44  }
0xc1: {  	v54 =	vadd.s32 s31, v1;
	v53 =	vld [tilespmem:$0x8600]  }
0xc2: {  	s18 =	simm.s32 $0xDC;
	v55 =	vld.idx.msk [tilespmem:v48+s11+$0x0], $0xffff;
	v2 =	vadd.f32 v3, v2;
	v3 =	vmul.f32 v46, v47  }
0xc3: {  	v57 =	vadd.s32 s18, v1;
	v56 =	vld [tilespmem:$0x8680]  }
0xc4: {  	v59 =	vld [tilespmem:$0x8700];
	v2 =	vadd.f32 v3, v2;
	v3 =	vmul.f32 v49, v50  }
0xc5: {  	v58 =	vld.idx.msk [tilespmem:v51+s11+$0x0], $0xffff  }
0xc6: {  	v60 =	vld.idx.msk [tilespmem:v54+s11+$0x0], $0xffff;
	v2 =	vadd.f32 v3, v2;
	v3 =	vmul.f32 v52, v53  }
0xc7: {  	v61 =	vld [tilespmem:$0x8780]  }
0xc8: {  	v62 =	vld.idx.msk [tilespmem:v57+s11+$0x0], $0xffff;
	v2 =	vadd.f32 v3, v2;
	v3 =	vmul.f32 v55, v56  }
0xc9: {  	v63 =	vld [tilespmem:$0x8800]  }
0xca: {  	v2 =	vadd.f32 v3, v2;
	v3 =	vmul.f32 v58, v59;
	_ =	sdelay $0x1  }
0xcb: {  	v2 =	vadd.f32 v3, v2;
	v3 =	vmul.f32 v60, v61;
	_ =	sdelay $0x1  }
0xcc: {  	v2 =	vadd.f32 v3, v2;
	v3 =	vmul.f32 v62, v63;
	_ =	sdelay $0x1  }
0xcd: {  	v2 =	vadd.f32 v3, v2;
	_ =	sdelay $0x1  }
0xce: {  	v2 =	vsub.f32 $0.0e+00, v2;
	_ =	sdelay $0x1  }
0xcf: {  	v2 =	vmul.f32 $1.442695020e+00, v2;
	_ =	sdelay $0x1  }
0xd0: {  	(erf) = vpow2.f32 v2;
	_ =	sdelay $0x8  }
0xd1: {  	v2 =	vpop (erf)  }
0xd2: {  	v2 =	vadd.f32 $1.000000000e+00, v2;
	_ =	sdelay $0x1  }
0xd3: {  	(erf) = vrcp.f32 v2;
	_ =	sdelay $0x3  }
0xd4: {  	s22 =	simm.s32 $0x340  }
0xd5: {  	s19 =	simm.s32 $0x359;
	s21 =	simm.s32 $0x4F9;
	s20 =	simm.s32 $0x8A80  }
.LBB2_2:
0xd6: {  	p0 =	sne.s32 s21, $0x3279;
	v2 =	vadd.s32 s22, v0  }
0xd7: {  	s22 =	sadd.s32 $0xFFFFFFE8, s19  }
0xd8: {  	v3 =	vadd.s32 s22, v0  }
0xd9: {  	s20 =	sadd.s32 $0x10, s20;
	s22 =	sadd.s32 $0xFFFFFFE9, s19;
	v4 =	vpop (erf)  }
0xda: {  	v5 =	vadd.s32 s22, v0;
	[tilespmem:s20+$0x0] =	vst v4  }
0xdb: {  	s22 =	sadd.s32 $0xFFFFFFEA, s19;
	v2 =	vld.idx.msk [tilespmem:v2+s14+$0x0], $0xffff  }
0xdc: {  	v6 =	vadd.s32 s22, v0;
	v4 =	vld [tilespmem:$0x8A00]  }
0xdd: {  	s22 =	sadd.s32 $0xFFFFFFEB, s19;
	v3 =	vld.idx.msk [tilespmem:v3+s14+$0x0], $0xffff  }
0xde: {  	v7 =	vadd.s32 s22, v0  }
0xdf: {  	s22 =	sadd.s32 $0xFFFFFFEC, s19;
	v5 =	vld.idx.msk [tilespmem:v5+s14+$0x0], $0xffff  }
0xe0: {  	v8 =	vadd.s32 s22, v0  }
0xe1: {  	s22 =	sadd.s32 $0xFFFFFFED, s19;
	v2 =	vadd.f32 v2, v4;
	v4 =	vld.idx.msk [tilespmem:v6+s14+$0x0], $0xffff  }
0xe2: {  	v6 =	vadd.s32 s22, v0  }
0xe3: {  	s22 =	sadd.s32 $0xFFFFFFEE, s19;
	v2 =	vadd.f32 v3, v2;
	v3 =	vld.idx.msk [tilespmem:v7+s14+$0x0], $0xffff  }
0xe4: {  	v7 =	vadd.s32 s22, v0  }
0xe5: {  	s22 =	sadd.s32 $0xFFFFFFEF, s19;
	v2 =	vadd.f32 v5, v2;
	v5 =	vld.idx.msk [tilespmem:v8+s14+$0x0], $0xffff  }
0xe6: {  	v8 =	vadd.s32 s22, v0  }
0xe7: {  	s22 =	sadd.s32 $0xFFFFFFF0, s19;
	v2 =	vadd.f32 v4, v2;
	v4 =	vld.idx.msk [tilespmem:v6+s14+$0x0], $0xffff  }
0xe8: {  	v6 =	vadd.s32 s22, v0  }
0xe9: {  	s22 =	sadd.s32 $0xFFFFFFF1, s19;
	v2 =	vadd.f32 v3, v2;
	v3 =	vld.idx.msk [tilespmem:v7+s14+$0x0], $0xffff  }
0xea: {  	v7 =	vadd.s32 s22, v0  }
0xeb: {  	s22 =	sadd.s32 $0xFFFFFFF2, s19;
	v2 =	vadd.f32 v5, v2;
	v5 =	vld.idx.msk [tilespmem:v8+s14+$0x0], $0xffff  }
0xec: {  	v8 =	vadd.s32 s22, v0  }
0xed: {  	s22 =	sadd.s32 $0xFFFFFFF3, s19;
	v2 =	vadd.f32 v4, v2;
	v4 =	vld.idx.msk [tilespmem:v6+s14+$0x0], $0xffff  }
0xee: {  	v6 =	vadd.s32 s22, v0  }
0xef: {  	s22 =	sadd.s32 $0xFFFFFFF4, s19;
	v2 =	vadd.f32 v3, v2;
	v3 =	vld.idx.msk [tilespmem:v7+s14+$0x0], $0xffff  }
0xf0: {  	v7 =	vadd.s32 s22, v0  }
0xf1: {  	s22 =	sadd.s32 $0xFFFFFFF5, s19;
	v2 =	vadd.f32 v5, v2;
	v5 =	vld.idx.msk [tilespmem:v8+s14+$0x0], $0xffff  }
0xf2: {  	v8 =	vadd.s32 s22, v0  }
0xf3: {  	s22 =	sadd.s32 $0xFFFFFFF6, s19;
	v2 =	vadd.f32 v4, v2;
	v4 =	vld.idx.msk [tilespmem:v6+s14+$0x0], $0xffff  }
0xf4: {  	v6 =	vadd.s32 s22, v0  }
0xf5: {  	s22 =	sadd.s32 $0xFFFFFFF7, s19;
	v2 =	vadd.f32 v3, v2;
	v3 =	vld.idx.msk [tilespmem:v7+s14+$0x0], $0xffff  }
0xf6: {  	v7 =	vadd.s32 s22, v0  }
0xf7: {  	s22 =	sadd.s32 $0xFFFFFFF8, s19;
	v2 =	vadd.f32 v5, v2;
	v5 =	vld.idx.msk [tilespmem:v8+s14+$0x0], $0xffff  }
0xf8: {  	v8 =	vadd.s32 s22, v0  }
0xf9: {  	s22 =	sadd.s32 $0xFFFFFFF9, s19;
	v2 =	vadd.f32 v4, v2;
	v4 =	vld.idx.msk [tilespmem:v6+s14+$0x0], $0xffff  }
0xfa: {  	v6 =	vadd.s32 s22, v0  }
0xfb: {  	s22 =	sadd.s32 $0xFFFFFFFA, s19;
	v2 =	vadd.f32 v3, v2;
	v3 =	vld.idx.msk [tilespmem:v7+s14+$0x0], $0xffff  }
0xfc: {  	v7 =	vadd.s32 s22, v0  }
0xfd: {  	s22 =	sadd.s32 $0xFFFFFFFB, s19;
	v2 =	vadd.f32 v5, v2;
	v5 =	vld.idx.msk [tilespmem:v8+s14+$0x0], $0xffff  }
0xfe: {  	v8 =	vadd.s32 s22, v0  }
0xff: {  	s22 =	sadd.s32 $0xFFFFFFFC, s19;
	v2 =	vadd.f32 v4, v2;
	v4 =	vld.idx.msk [tilespmem:v6+s14+$0x0], $0xffff  }
0x100: {  	v6 =	vadd.s32 s22, v0  }
0x101: {  	s22 =	sadd.s32 $0xFFFFFFFD, s19;
	v2 =	vadd.f32 v3, v2;
	v3 =	vld.idx.msk [tilespmem:v7+s14+$0x0], $0xffff  }
0x102: {  	v7 =	vadd.s32 s22, v0  }
0x103: {  	s22 =	sadd.s32 $0xFFFFFFFE, s19;
	v2 =	vadd.f32 v5, v2;
	v5 =	vld.idx.msk [tilespmem:v8+s14+$0x0], $0xffff  }
0x104: {  	v8 =	vadd.s32 s22, v0  }
0x105: {  	s22 =	sadd.s32 $0xFFFFFFFF, s19;
	v2 =	vadd.f32 v4, v2;
	v4 =	vld.idx.msk [tilespmem:v6+s14+$0x0], $0xffff  }
0x106: {  	s18 =	sadd.s32 $0xD0, s18;
	v6 =	vadd.s32 s22, v0  }
0x107: {  	s22 =	sadd.s32 $0xFFFFFFF4, s18;
	v2 =	vadd.f32 v3, v2;
	v3 =	vld.idx.msk [tilespmem:v7+s14+$0x0], $0xffff;
	v7 =	vadd.s32 s19, v0;
	s19 =	smov.u32 s21  }
0x108: {  	v9 =	vadd.s32 s22, v1  }
0x109: {  	s22 =	sadd.s32 $0xFFFFFFF5, s18;
	v2 =	vadd.f32 v5, v2;
	v5 =	vld.idx.msk [tilespmem:v8+s14+$0x0], $0xffff  }
0x10a: {  	v8 =	vadd.s32 s22, v1  }
0x10b: {  	s22 =	sadd.s32 $0xFFFFFFF6, s18;
	v2 =	vadd.f32 v4, v2;
	v4 =	vld.idx.msk [tilespmem:v6+s14+$0x0], $0xffff  }
0x10c: {  	v6 =	vld.idx.msk [tilespmem:v7+s14+$0x0], $0xffff;
	v7 =	vadd.s32 s22, v1  }
0x10d: {  	s22 =	sadd.s32 $0xFFFFFFF7, s18;
	v2 =	vadd.f32 v3, v2;
	v3 =	vld.idx.msk [tilespmem:v9+s11+$0x0], $0xffff  }
0x10e: {  	v10 =	vadd.s32 s22, v1;
	v9 =	vld [tilespmem:$0x8200]  }
0x10f: {  	s22 =	sadd.s32 $0xFFFFFFF8, s18;
	v2 =	vadd.f32 v5, v2;
	v5 =	vld.idx.msk [tilespmem:v8+s11+$0x0], $0xffff  }
0x110: {  	v11 =	vadd.s32 s22, v1;
	v8 =	vld [tilespmem:$0x8280]  }
0x111: {  	s22 =	sadd.s32 $0xFFFFFFF9, s18;
	v2 =	vadd.f32 v4, v2;
	v4 =	vld.idx.msk [tilespmem:v7+s11+$0x0], $0xffff  }
0x112: {  	v12 =	vadd.s32 s22, v1;
	v7 =	vld [tilespmem:$0x8300]  }
0x113: {  	s22 =	sadd.s32 $0xFFFFFFFA, s18;
	v2 =	vadd.f32 v6, v2;
	v3 =	vmul.f32 v3, v9;
	v6 =	vld.idx.msk [tilespmem:v10+s11+$0x0], $0xffff  }
0x114: {  	v10 =	vadd.s32 s22, v1;
	v9 =	vld [tilespmem:$0x8380]  }
0x115: {  	s22 =	sadd.s32 $0xFFFFFFFB, s18;
	v2 =	vadd.f32 v3, v2;
	v3 =	vmul.f32 v5, v8;
	v5 =	vld.idx.msk [tilespmem:v11+s11+$0x0], $0xffff  }
0x116: {  	v11 =	vadd.s32 s22, v1;
	v8 =	vld [tilespmem:$0x8400]  }
0x117: {  	s22 =	sadd.s32 $0xFFFFFFFC, s18;
	v2 =	vadd.f32 v3, v2;
	v3 =	vmul.f32 v4, v7;
	v4 =	vld.idx.msk [tilespmem:v12+s11+$0x0], $0xffff  }
0x118: {  	v12 =	vadd.s32 s22, v1;
	v7 =	vld [tilespmem:$0x8480]  }
0x119: {  	s22 =	sadd.s32 $0xFFFFFFFD, s18;
	v2 =	vadd.f32 v3, v2;
	v3 =	vmul.f32 v6, v9;
	v6 =	vld.idx.msk [tilespmem:v10+s11+$0x0], $0xffff  }
0x11a: {  	v10 =	vadd.s32 s22, v1;
	v9 =	vld [tilespmem:$0x8500]  }
0x11b: {  	s22 =	sadd.s32 $0xFFFFFFFE, s18;
	v2 =	vadd.f32 v3, v2;
	v3 =	vmul.f32 v5, v8;
	v5 =	vld.idx.msk [tilespmem:v11+s11+$0x0], $0xffff  }
0x11c: {  	v11 =	vadd.s32 s22, v1;
	v8 =	vld [tilespmem:$0x8580]  }
0x11d: {  	s22 =	sadd.s32 $0xFFFFFFFF, s18;
	v2 =	vadd.f32 v3, v2;
	v3 =	vmul.f32 v4, v7;
	v4 =	vld.idx.msk [tilespmem:v12+s11+$0x0], $0xffff  }
0x11e: {  	v12 =	vadd.s32 s22, v1;
	v7 =	vld [tilespmem:$0x8600]  }
0x11f: {  	v2 =	vadd.f32 v3, v2;
	v3 =	vmul.f32 v6, v9;
	v6 =	vld.idx.msk [tilespmem:v10+s11+$0x0], $0xffff  }
0x120: {  	v10 =	vadd.s32 s18, v1;
	v9 =	vld [tilespmem:$0x8680]  }
0x121: {  	v2 =	vadd.f32 v3, v2;
	v3 =	vmul.f32 v5, v8;
	v5 =	vld.idx.msk [tilespmem:v11+s11+$0x0], $0xffff  }
0x122: {  	v8 =	vld [tilespmem:$0x8700]  }
0x123: {  	v2 =	vadd.f32 v3, v2;
	v3 =	vmul.f32 v4, v7;
	v4 =	vld.idx.msk [tilespmem:v12+s11+$0x0], $0xffff  }
0x124: {  	v7 =	vld [tilespmem:$0x8780]  }
0x125: {  	v2 =	vadd.f32 v3, v2;
	v3 =	vmul.f32 v6, v9;
	v6 =	vld.idx.msk [tilespmem:v10+s11+$0x0], $0xffff  }
0x126: {  	v9 =	vld [tilespmem:$0x8800]  }
0x127: {  	v2 =	vadd.f32 v3, v2;
	v3 =	vmul.f32 v5, v8;
	_ =	sdelay $0x1  }
0x128: {  	v2 =	vadd.f32 v3, v2;
	v3 =	vmul.f32 v4, v7;
	_ =	sdelay $0x1  }
0x129: {  	v2 =	vadd.f32 v3, v2;
	v3 =	vmul.f32 v6, v9;
	_ =	sdelay $0x1  }
0x12a: {  	v2 =	vadd.f32 v3, v2;
	_ =	sdelay $0x1  }
0x12b: {  	v2 =	vsub.f32 $0.0e+00, v2;
	_ =	sdelay $0x1  }
0x12c: {  	v2 =	vmul.f32 $1.442695020e+00, v2;
	_ =	sdelay $0x1  }
0x12d: {  	(erf) = vpow2.f32 v2;
	_ =	sdelay $0x8  }
0x12e: {  	v2 =	vpop (erf)  }
0x12f: {  	v2 =	vadd.f32 $1.000000000e+00, v2;
	_ =	sdelay $0x1  }
0x130: {  	(erf) = vrcp.f32 v2  }
.Ltmp0:
0x131: {  	(pc) =	sbr.rel @p0 .LBB2_2-.Ltmp0, $2  }
0x132: {  	_ =	sdelay $0x2  }
0x133: {  	s21 =	sadd.s32 $0x1A0, s21;
	s22 =	sadd.s32 $0xFFFFFFE7, s19  }
0x134: {  	v2 =	vadd.s32 s22, v0;
	_ =	sdelay $0x1  }
0x135: {  	s21 =	sadd.s32 $0xFFFFFFE8, s19  }
0x136: {  	s20 =	sadd.s32 $0x10, s20;
	v3 =	vadd.s32 s21, v0;
	v4 =	vpop (erf)  }
0x137: {  	s23 =	sadd.s32 $0xFFFFFFE9, s19;
	[tilespmem:s20+$0x0] =	vst v4  }
0x138: {  	v46 =	vadd.s32 s23, v0;
	v2 =	vld.idx.msk [tilespmem:v2+s14+$0x0], $0xffff  }
0x139: {  	s24 =	sadd.s32 $0xFFFFFFEA, s19;
	v5 =	vld [tilespmem:$0x8A00]  }
0x13a: {  	v6 =	vadd.s32 s24, v0  }
0x13b: {  	s25 =	sadd.s32 $0xFFFFFFEB, s19;
	v3 =	vld.idx.msk [tilespmem:v3+s14+$0x0], $0xffff  }
0x13c: {  	v7 =	vadd.s32 s25, v0  }
0x13d: {  	s26 =	sadd.s32 $0xFFFFFFEC, s19;
	v4 =	vld.idx.msk [tilespmem:v46+s14+$0x0], $0xffff  }
0x13e: {  	v8 =	vadd.s32 s26, v0;
	v2 =	vadd.f32 v2, v5  }
0x13f: {  	s28 =	sadd.s32 $0xFFFFFFED, s19;
	v47 =	vld.idx.msk [tilespmem:v6+s14+$0x0], $0xffff  }
0x140: {  	v48 =	vadd.s32 s28, v0;
	v2 =	vadd.f32 v3, v2  }
0x141: {  	s29 =	sadd.s32 $0xFFFFFFEE, s19;
	v3 =	vld.idx.msk [tilespmem:v7+s14+$0x0], $0xffff  }
0x142: {  	v49 =	vadd.s32 s29, v0;
	v2 =	vadd.f32 v4, v2  }
0x143: {  	s30 =	sadd.s32 $0xFFFFFFEF, s19;
	v50 =	vld.idx.msk [tilespmem:v8+s14+$0x0], $0xffff  }
0x144: {  	v51 =	vadd.s32 s30, v0;
	v2 =	vadd.f32 v47, v2  }
0x145: {  	s31 =	sadd.s32 $0xFFFFFFF0, s19;
	v52 =	vld.idx.msk [tilespmem:v48+s14+$0x0], $0xffff  }
0x146: {  	v53 =	vadd.s32 s31, v0;
	v2 =	vadd.f32 v3, v2  }
0x147: {  	s22 =	sadd.s32 $0xFFFFFFF1, s19;
	v3 =	vld.idx.msk [tilespmem:v49+s14+$0x0], $0xffff  }
0x148: {  	v54 =	vadd.s32 s22, v0;
	v2 =	vadd.f32 v50, v2  }
0x149: {  	s23 =	sadd.s32 $0xFFFFFFF2, s19;
	v55 =	vld.idx.msk [tilespmem:v51+s14+$0x0], $0xffff  }
0x14a: {  	v56 =	vadd.s32 s23, v0;
	v2 =	vadd.f32 v52, v2  }
0x14b: {  	s24 =	sadd.s32 $0xFFFFFFF3, s19;
	v57 =	vld.idx.msk [tilespmem:v53+s14+$0x0], $0xffff  }
0x14c: {  	v58 =	vadd.s32 s24, v0;
	v2 =	vadd.f32 v3, v2  }
0x14d: {  	s25 =	sadd.s32 $0xFFFFFFF4, s19;
	v3 =	vld.idx.msk [tilespmem:v54+s14+$0x0], $0xffff  }
0x14e: {  	v59 =	vadd.s32 s25, v0;
	v2 =	vadd.f32 v55, v2  }
0x14f: {  	s26 =	sadd.s32 $0xFFFFFFF5, s19;
	v60 =	vld.idx.msk [tilespmem:v56+s14+$0x0], $0xffff  }
0x150: {  	v61 =	vadd.s32 s26, v0;
	v2 =	vadd.f32 v57, v2  }
0x151: {  	s28 =	sadd.s32 $0xFFFFFFF6, s19;
	v62 =	vld.idx.msk [tilespmem:v58+s14+$0x0], $0xffff  }
0x152: {  	v63 =	vadd.s32 s28, v0;
	v2 =	vadd.f32 v3, v2  }
0x153: {  	s29 =	sadd.s32 $0xFFFFFFF7, s19;
	v3 =	vld.idx.msk [tilespmem:v59+s14+$0x0], $0xffff  }
0x154: {  	v12 =	vadd.s32 s29, v0;
	v2 =	vadd.f32 v60, v2  }
0x155: {  	s30 =	sadd.s32 $0xFFFFFFF8, s19;
	v13 =	vld.idx.msk [tilespmem:v61+s14+$0x0], $0xffff  }
0x156: {  	v14 =	vadd.s32 s30, v0;
	v2 =	vadd.f32 v62, v2  }
0x157: {  	s31 =	sadd.s32 $0xFFFFFFF9, s19;
	v15 =	vld.idx.msk [tilespmem:v63+s14+$0x0], $0xffff  }
0x158: {  	v16 =	vadd.s32 s31, v0;
	v2 =	vadd.f32 v3, v2  }
0x159: {  	s22 =	sadd.s32 $0xFFFFFFFA, s19;
	v3 =	vld.idx.msk [tilespmem:v12+s14+$0x0], $0xffff  }
0x15a: {  	v17 =	vadd.s32 s22, v0;
	v2 =	vadd.f32 v13, v2  }
0x15b: {  	s23 =	sadd.s32 $0xFFFFFFFB, s19;
	v18 =	vld.idx.msk [tilespmem:v14+s14+$0x0], $0xffff  }
0x15c: {  	v19 =	vadd.s32 s23, v0;
	v2 =	vadd.f32 v15, v2  }
0x15d: {  	s24 =	sadd.s32 $0xFFFFFFFC, s19;
	v20 =	vld.idx.msk [tilespmem:v16+s14+$0x0], $0xffff  }
0x15e: {  	v21 =	vadd.s32 s24, v0;
	v2 =	vadd.f32 v3, v2  }
0x15f: {  	s25 =	sadd.s32 $0xFFFFFFFD, s19;
	v3 =	vld.idx.msk [tilespmem:v17+s14+$0x0], $0xffff  }
0x160: {  	v22 =	vadd.s32 s25, v0;
	v2 =	vadd.f32 v18, v2  }
0x161: {  	s26 =	sadd.s32 $0xFFFFFFFE, s19;
	v23 =	vld.idx.msk [tilespmem:v19+s14+$0x0], $0xffff  }
0x162: {  	v24 =	vadd.s32 s26, v0;
	v2 =	vadd.f32 v20, v2  }
0x163: {  	s18 =	sadd.s32 $0xD0, s18;
	s28 =	sadd.s32 $0xFFFFFFFF, s19;
	v25 =	vld.idx.msk [tilespmem:v21+s14+$0x0], $0xffff  }
0x164: {  	s29 =	sadd.s32 $0xFFFFFFF4, s18;
	v26 =	vadd.s32 s28, v0;
	v2 =	vadd.f32 v3, v2  }
0x165: {  	v9 =	vadd.s32 s29, v1;
	v7 =	vld.idx.msk [tilespmem:v22+s14+$0x0], $0xffff  }
0x166: {  	v3 =	vadd.s32 s19, v0;
	v2 =	vadd.f32 v23, v2  }
0x167: {  	s30 =	sadd.s32 $0xFFFFFFF5, s18;
	v27 =	vld.idx.msk [tilespmem:v24+s14+$0x0], $0xffff  }
0x168: {  	v28 =	vadd.s32 s30, v1;
	v32 =	vld [tilespmem:$0x8200];
	v2 =	vadd.f32 v25, v2  }
0x169: {  	s31 =	sadd.s32 $0xFFFFFFF6, s18;
	v29 =	vld.idx.msk [tilespmem:v26+s14+$0x0], $0xffff  }
0x16a: {  	v30 =	vadd.s32 s31, v1;
	v31 =	vld.idx.msk [tilespmem:v9+s11+$0x0], $0xffff;
	v2 =	vadd.f32 v7, v2  }
0x16b: {  	s21 =	sadd.s32 $0xFFFFFFF7, s18;
	v3 =	vld.idx.msk [tilespmem:v3+s14+$0x0], $0xffff  }
0x16c: {  	v10 =	vadd.s32 s21, v1;
	v34 =	vld [tilespmem:$0x8280];
	v2 =	vadd.f32 v27, v2  }
0x16d: {  	s22 =	sadd.s32 $0xFFFFFFF8, s18;
	v33 =	vld.idx.msk [tilespmem:v28+s11+$0x0], $0xffff  }
0x16e: {  	v11 =	vadd.s32 s22, v1;
	v36 =	vld [tilespmem:$0x8300];
	v2 =	vadd.f32 v29, v2  }
0x16f: {  	s23 =	sadd.s32 $0xFFFFFFF9, s18;
	v35 =	vld.idx.msk [tilespmem:v30+s11+$0x0], $0xffff  }
0x170: {  	s24 =	sadd.s32 $0xFFFFFFFA, s18;
	v38 =	vld [tilespmem:$0x8380];
	v12 =	vadd.s32 s23, v1;
	v2 =	vadd.f32 v3, v2;
	v3 =	vmul.f32 v31, v32  }
0x171: {  	v39 =	vadd.s32 s24, v1;
	v37 =	vld.idx.msk [tilespmem:v10+s11+$0x0], $0xffff  }
0x172: {  	s25 =	sadd.s32 $0xFFFFFFFB, s18;
	v41 =	vld [tilespmem:$0x8400];
	v2 =	vadd.f32 v3, v2;
	v3 =	vmul.f32 v33, v34  }
0x173: {  	v42 =	vadd.s32 s25, v1;
	v40 =	vld.idx.msk [tilespmem:v11+s11+$0x0], $0xffff  }
0x174: {  	v44 =	vld [tilespmem:$0x8480];
	v2 =	vadd.f32 v3, v2;
	v3 =	vmul.f32 v35, v36  }
0x175: {  	s26 =	sadd.s32 $0xFFFFFFFC, s18;
	v43 =	vld.idx.msk [tilespmem:v12+s11+$0x0], $0xffff  }
0x176: {  	v45 =	vadd.s32 s26, v1;
	v46 =	vld.idx.msk [tilespmem:v39+s11+$0x0], $0xffff;
	v2 =	vadd.f32 v3, v2;
	v3 =	vmul.f32 v37, v38  }
0x177: {  	s28 =	sadd.s32 $0xFFFFFFFD, s18;
	v47 =	vld [tilespmem:$0x8500]  }
0x178: {  	s29 =	sadd.s32 $0xFFFFFFFE, s18;
	v48 =	vadd.s32 s28, v1;
	v49 =	vld.idx.msk [tilespmem:v42+s11+$0x0], $0xffff;
	v2 =	vadd.f32 v3, v2;
	v3 =	vmul.f32 v40, v41  }
0x179: {  	v51 =	vadd.s32 s29, v1;
	v50 =	vld [tilespmem:$0x8580]  }
0x17a: {  	v53 =	vld [tilespmem:$0x8600];
	v2 =	vadd.f32 v3, v2;
	v3 =	vmul.f32 v43, v44  }
0x17b: {  	s30 =	sadd.s32 $0xFFFFFFFF, s18;
	v52 =	vld.idx.msk [tilespmem:v45+s11+$0x0], $0xffff  }
0x17c: {  	v56 =	vld [tilespmem:$0x8680];
	v54 =	vadd.s32 s30, v1;
	v2 =	vadd.f32 v3, v2;
	v3 =	vmul.f32 v46, v47  }
0x17d: {  	v55 =	vld.idx.msk [tilespmem:v48+s11+$0x0], $0xffff  }
0x17e: {  	v58 =	vld.idx.msk [tilespmem:v51+s11+$0x0], $0xffff;
	v57 =	vadd.s32 s18, v1;
	v2 =	vadd.f32 v3, v2;
	v3 =	vmul.f32 v49, v50  }
0x17f: {  	v59 =	vld [tilespmem:$0x8700]  }
0x180: {  	v61 =	vld [tilespmem:$0x8780];
	v2 =	vadd.f32 v3, v2;
	v3 =	vmul.f32 v52, v53  }
0x181: {  	v60 =	vld.idx.msk [tilespmem:v54+s11+$0x0], $0xffff  }
0x182: {  	v63 =	vld [tilespmem:$0x8800];
	v2 =	vadd.f32 v3, v2;
	v3 =	vmul.f32 v55, v56  }
0x183: {  	v62 =	vld.idx.msk [tilespmem:v57+s11+$0x0], $0xffff  }
0x184: {  	v2 =	vadd.f32 v3, v2;
	v3 =	vmul.f32 v58, v59;
	_ =	sdelay $0x1  }
0x185: {  	v2 =	vadd.f32 v3, v2;
	v3 =	vmul.f32 v60, v61;
	_ =	sdelay $0x1  }
0x186: {  	v2 =	vadd.f32 v3, v2;
	v3 =	vmul.f32 v62, v63;
	_ =	sdelay $0x1  }
0x187: {  	v2 =	vadd.f32 v3, v2;
	_ =	sdelay $0x1  }
0x188: {  	v2 =	vsub.f32 $0.0e+00, v2;
	_ =	sdelay $0x1  }
0x189: {  	v2 =	vmul.f32 $1.442695020e+00, v2;
	_ =	sdelay $0x1  }
0x18a: {  	(erf) = vpow2.f32 v2;
	_ =	sdelay $0x8  }
0x18b: {  	v2 =	vpop (erf)  }
0x18c: {  	v2 =	vadd.f32 $1.000000000e+00, v2;
	_ =	sdelay $0x1  }
0x18d: {  	(erf) = vrcp.f32 v2;
	_ =	sdelay $0x7  }
0x18e: {  	s17 =	sadd.s32 $0x1, s17  }
0x18f: {  	p0 =	sne.s32 s17, s9;
	s31 =	sadd.s32 $0x10, s20;
	v2 =	vpop (erf)  }
.Ltmp1:
0x190: {  	[tilespmem:s31+$0x0] =	vst v2;
	(pc) =	sbr.rel @p0 .LBB2_1-.Ltmp1, $4  }
0x191: {  	[hbm4b:s8+s5] =	stream.linear.scatter [tilespmem:s16], [sflag:$0x2], $0x200, $0x38;
	[tilespmem:$0x8C80] =	vst v63  }
0x192: {  	_ =	swait.ge [sflag:s10], $0x200  }
0x193: {  	[sflag:s10] =	ssyncset.done $0x0  }
0x194: {  	[sflag:s10] =	ssyncadd.s32 $0xFFFFFE00  }
0x195: {  	_ =	sfence.sel $0x180000  }
0x196: {  	[bflag:$0x0] =	sbarrier.arrive $0xFFFF  }
0x197: {  	p0 =	sne.s32 s0, $0x0;
	_ =	strace $0x90000047  }
0x198: {  	s0 =	sadd.s32 @!p0 $0x100000, s3;
	[bflag:$0x2] =	sbarrier.arrive $0xFFFF  }
0x199: {  	[sflag:s0] =	ssyncadd.tile.s32 @!p0 $0x1;
	_ =	shalt  }
.Lfunc_end2:
_tile_overlayer_lowered:
.L_overlay_start_2:
0x19a: {  	(tag) =	ssettag $0x2  }
0x19b: {  	s0 =	rddreg [dreg:$0x0];
	s2 =	stileid.u32  }
0x19c: {  	s1 =	rddreg [dreg:$0x1];
	p0 =	sne.s32 s2, $0x0  }
0x19d: {  	s3 =	rddreg [dreg:$0x2];
	[bflag:$0x3] =	sbarrier.arrive $0xFFFF;
	s2 =	simm.s32 @!p0 $0x1C02  }
0x19e: {  	[timem:s3], [sflag:s2] =	dma.local @!p0 [hbm:s0], s1  }
0x19f: {  	s0 =	simm.s32 @!p0 $0x2  }
0x1a0: {  	_ =	swait.ge @!p0 [sflag:s0], s1  }
0x1a1: {  	s1 =	ssub.s32 @!p0 $0x0, s1;
	[sflag:s0] =	ssyncset.done @!p0 $0x0  }
0x1a2: {  	[sflag:s0] =	ssyncadd.s32 @!p0 s1  }
0x1a3: {  	[bflag:$0x3] =	sbarrier.arrive $0xFFFF  }
0x1a4: {  	_ =	shalt  }

</sc_bundles>
